<compile_context>
chip_gen: v7x
topology: tpu7x:2x2x1
jax: 0.10.2.dev20260603
libtpu: 0.0.44.dev20260713+nightly
codegen_flags: <defaults>
</compile_context>

<pallas_src>
import functools

import jax
import jax.numpy as jnp
from jax import lax
from jax.experimental import pallas as pl
from jax.experimental.pallas import tpu as pltpu
from jax.experimental.pallas import tpu_sc as plsc

N = 10000
E = 320000
D = 128
NC, NS = 2, 16
NW = NC * NS
NP = 10240
B = 64
EPT = 10240
CH = EPT // B
BG = 128
CG = EPT // BG
EPAD = EPT * NW
RPT = NP // NS
TOTCH = EPAD // B
CH0 = 256
CH1 = (TOTCH - NS * CH0) // NS
CHMAX = max(CH0, CH1)
GMAX = CHMAX // 2
TOTG = TOTCH // 2 + 32
TOTB = TOTCH + 64
EPAD2 = TOTG * BG
NPA = 10112
RPA = NPA // NS

_mesh = plsc.VectorSubcoreMesh(
    core_axis_name="c", subcore_axis_name="s", num_cores=NC, num_subcores=NS)


@functools.partial(
    pl.kernel,
    out_type=jax.ShapeDtypeStruct((NC, NP), jnp.float32),
    mesh=_mesh,
    scratch_types=[
        pltpu.VMEM((CH, B), jnp.int32),
        pltpu.VMEM((B,), jnp.float32),
        pltpu.VMEM_SHARED((NP,), jnp.float32),
    ],
)
def _deg_kernel(dst_hbm, zeros1_hbm, ones_hbm, deg_out, dst_v, ones_v, deg_sp):
    c = lax.axis_index("c")
    s = lax.axis_index("s")
    wid = c * NS + s
    pltpu.sync_copy(dst_hbm.at[wid], dst_v)
    pltpu.sync_copy(ones_hbm, ones_v)
    pltpu.sync_copy(zeros1_hbm.at[pl.ds(s * RPT, RPT)],
                    deg_sp.at[pl.ds(s * RPT, RPT)])
    plsc.subcore_barrier()

    def body(j, carry):
        pltpu.sync_copy(ones_v, deg_sp.at[dst_v.at[j]], add=True)
        return carry

    lax.fori_loop(0, CH, body, 0)
    plsc.subcore_barrier()
    pltpu.sync_copy(deg_sp.at[pl.ds(s * RPT, RPT)],
                    deg_out.at[c, pl.ds(s * RPT, RPT)])


@functools.partial(
    pl.kernel,
    out_type=jax.ShapeDtypeStruct((NC, NP, D), jnp.float32),
    mesh=_mesh,
    scratch_types=[
        pltpu.VMEM((4, 1, B), jnp.int32),
        pltpu.VMEM((CHMAX, B), jnp.int32),
        pltpu.VMEM((2, B, D), jnp.float32),
        pltpu.VMEM_SHARED((NPA, D), jnp.float32),
        pltpu.SemaphoreType.DMA,
        pltpu.SemaphoreType.DMA,
    ],
)
def _agg_kernel(g_hbm, srcb_hbm, dstb_hbm, zeros2_hbm, agg_out,
                src_r, dst_v, rows, agg_sp, gsem, isem):
    c = lax.axis_index("c")
    s = lax.axis_index("s")
    myc = jnp.where(c == 0, CH0, CH1)
    bbase = pl.multiple_of(
        jnp.where(c == 0, s * CH0, NS * CH0 + s * CH1), 8)
    pltpu.sync_copy(dstb_hbm.at[pl.ds(bbase, CHMAX)], dst_v)
    pltpu.sync_copy(zeros2_hbm.at[pl.ds(s * RPA, RPA)],
                    agg_sp.at[pl.ds(s * RPA, RPA)])
    plsc.subcore_barrier()

    def load_idx(j):
        pltpu.async_copy(srcb_hbm.at[bbase + j], src_r.at[j % 4], isem)

    def wait_idx(j):
        pltpu.make_async_copy(srcb_hbm.at[bbase + j], src_r.at[j % 4],
                              isem).wait()

    def gather(j):
        pltpu.async_copy(g_hbm.at[src_r.at[j % 4, 0]], rows.at[j % 2], gsem)

    load_idx(0)
    load_idx(1)
    wait_idx(0)
    gather(0)

    def body(j, carry):
        @pl.when(j + 1 < myc)
        def _():
            wait_idx(j + 1)
            gather(j + 1)

        @pl.when(j + 2 < myc)
        def _():
            load_idx(j + 2)

        pltpu.make_async_copy(g_hbm.at[src_r.at[j % 4, 0]], rows.at[j % 2],
                              gsem).wait()
        pltpu.sync_copy(rows.at[j % 2], agg_sp.at[dst_v.at[j]], add=True)
        return carry

    lax.fori_loop(0, myc, body, 0)
    plsc.subcore_barrier()
    pltpu.sync_copy(agg_sp.at[pl.ds(s * RPA, RPA)],
                    agg_out.at[c, pl.ds(s * RPA, RPA)])


BM = 1024
_GRID = NP // BM


def _mm_body(x_ref, w_ref, dr_ref, g_ref, dinv_ref):
    deg = dr_ref[0] + dr_ref[1] + 1.0
    dinv = lax.rsqrt(deg)
    h = jnp.dot(x_ref[...], w_ref[...], preferred_element_type=jnp.float32)
    g_ref[...] = dinv * h
    dinv_ref[...] = dinv


_mm = pl.pallas_call(
    _mm_body,
    grid=(_GRID,),
    in_specs=[
        pl.BlockSpec((BM, D), lambda i: (i, 0)),
        pl.BlockSpec((D, D), lambda i: (0, 0)),
        pl.BlockSpec((NC, BM, 1), lambda i: (0, i, 0)),
    ],
    out_specs=[
        pl.BlockSpec((BM, D), lambda i: (i, 0)),
        pl.BlockSpec((BM, 1), lambda i: (i, 0)),
    ],
    out_shape=[
        jax.ShapeDtypeStruct((NP, D), jnp.float32),
        jax.ShapeDtypeStruct((NP, 1), jnp.float32),
    ],
)


def _fin_body(p_ref, g_ref, dinv_ref, b_ref, o_ref):
    ssum = p_ref[0] + p_ref[1] + g_ref[...]
    o_ref[...] = jnp.maximum(dinv_ref[...] * ssum + b_ref[...], 0.0)


_fin = pl.pallas_call(
    _fin_body,
    grid=(_GRID,),
    in_specs=[
        pl.BlockSpec((NC, BM, D), lambda i: (0, i, 0)),
        pl.BlockSpec((BM, D), lambda i: (i, 0)),
        pl.BlockSpec((BM, 1), lambda i: (i, 0)),
        pl.BlockSpec((1, D), lambda i: (0, 0)),
    ],
    out_specs=pl.BlockSpec((BM, D), lambda i: (i, 0)),
    out_shape=jax.ShapeDtypeStruct((NP, D), jnp.float32),
)


def kernel(x, edge_index, W, b):
    src = edge_index[0]
    dst = edge_index[1]
    pad = EPAD2 - E
    fill = jnp.full((pad,), N, jnp.int32)
    srcp = jnp.concatenate([src, fill]).reshape(TOTB, 1, B)
    dstp = jnp.concatenate([dst, fill])
    dstp_deg = dstp[:EPAD].reshape(NW, CH, B)
    dstp_agg = dstp.reshape(TOTB, B)
    xp = jnp.pad(x, ((0, NP - N), (0, 0)))
    zeros1 = jnp.zeros((NP,), jnp.float32)
    zeros2 = jnp.zeros((NP, D), jnp.float32)
    ones = jnp.ones((B,), jnp.float32)

    deg = _deg_kernel(dstp_deg, zeros1, ones)
    g, dinv = _mm(xp, W, deg.reshape(NC, NP, 1))
    agg = _agg_kernel(g, srcp, dstp_agg, zeros2)
    out = _fin(agg, g, dinv, b.reshape(1, D))
    return out[:N]

# --- scband reference (transcript-rebuilt; emitter-appended) ---
"""Pipeline reference for scband-gcnblock-38422777430258 (READ-ONLY COPY).

The authoritative reference and input builder live on the scoring server;
editing this copy changes nothing except your own understanding.
"""

import jax, jax.numpy as jnp
import numpy as np

N = 10000
E = 320000
D_IN = 128
D_OUT = 128


def setup_inputs(seed: int = 0) -> dict:
    key = jax.random.key(seed)
    k1, k2, k3, k4 = jax.random.split(key, 4)
    x = jax.random.normal(k1, (N, D_IN), dtype=jnp.float32)
    edge_index = jax.random.randint(k2, (2, E), 0, N, dtype=jnp.int32)
    # Learned parameters of the single GCNConv actually used in forward
    # (convGCN: in_channels=128 -> out_channels=128), Glorot-style init.
    W = jax.random.normal(k3, (D_IN, D_OUT), dtype=jnp.float32) * (1.0 / np.sqrt(D_IN))
    b = jnp.zeros((D_OUT,), dtype=jnp.float32)
    return {"x": x, "edge_index": edge_index, "W": W, "b": b}


def _gcn_conv(x, edge_index, W, b):
    # Standard GCNConv: out = D^{-1/2} (A + I) D^{-1/2} (x @ W) + b
    n = x.shape[0]
    src = edge_index[0]
    dst = edge_index[1]
    self_idx = jnp.arange(n, dtype=src.dtype)
    src = jnp.concatenate([src, self_idx])
    dst = jnp.concatenate([dst, self_idx])
    ones = jnp.ones(src.shape[0], dtype=x.dtype)
    deg = jax.ops.segment_sum(ones, dst, num_segments=n)
    dinv_sqrt = jnp.where(deg > 0, jax.lax.rsqrt(jnp.maximum(deg, 1e-12)), 0.0)
    norm = dinv_sqrt[src] * dinv_sqrt[dst]
    h = x @ W
    msg = jnp.take(h, src, axis=0) * norm[:, None]
    out = jax.ops.segment_sum(msg, dst, num_segments=n)
    return out + b


def reference(x, edge_index, W, b):
    # GCNBlock.forward only executes: self.convGCN(data.x, data.edge_index).relu()
    # (the rest of the body is a dead string literal)
    return jax.nn.relu(_gcn_conv(x, edge_index, W, b))

if __name__ == "__main__":
    import jax
    _d = setup_inputs()
    print(jax.jit(kernel)(*tuple(_d.values())))

</pallas_src>

<mosaic_0001>
#map = affine_map<(d0, d1) -> (0, 0, 0)>
#map1 = affine_map<(d0, d1) -> (0)>
#map2 = affine_map<(d0, d1) -> (0, 0)>
module attributes {stable_mosaic.version = 14 : i64} {
  func.func @_deg_kernel(%arg0: i32, %arg1: i32, %arg2: memref<32x160x64xi32, #tpu.memory_space<hbm>>, %arg3: memref<10240xf32, #tpu.memory_space<hbm>>, %arg4: memref<64xf32, #tpu.memory_space<hbm>>, %arg5: memref<2x10240xf32, #tpu.memory_space<hbm>>, %arg6: memref<160x64xi32, #tpu.memory_space<vmem>>, %arg7: memref<64xf32, #tpu.memory_space<vmem>>, %arg8: memref<10240xf32, #tpu.memory_space<vmem_shared>>) attributes {dimension_semantics = [#tpu.dimension_semantics<core_parallel>, #tpu.dimension_semantics<subcore_parallel>], iteration_bounds = array<i64: 2, 16>, scalar_prefetch = 0 : i64, scratch_operands = 3 : i64, tpu.core_type = #tpu.core_type<sc_vector_subcore>, window_params = [{transform_indices = #map}, {transform_indices = #map1}, {transform_indices = #map1}, {transform_indices = #map2}]} {
    %mul3A = arith.constant 16 : i32
    %mul3A_0 = arith.muli %arg0, %mul3A : i32
    %add3A = arith.addi %mul3A_0, %arg1 : i32
    "tpu.region"() ({
      %run_scoped3A = tpu.sem_alloc : memref<!tpu.dma_semaphore, #tpu.memory_space<semaphore_mem>>
      %dma_start3A = arith.constant 0 : i32
      %dma_start3A_15 = arith.constant 0 : i32
      %dma_start3A_16 = tpu.memref_slice %arg2[%add3A, %dma_start3A, %dma_start3A_15] : memref<32x160x64xi32, #tpu.memory_space<hbm>> -> memref<1x160x64xi32, #tpu.memory_space<hbm>>
      %dma_start3A_17 = tpu.memref_squeeze %dma_start3A_16 : memref<1x160x64xi32, #tpu.memory_space<hbm>> -> memref<160x64xi32, #tpu.memory_space<hbm>>
      %dma_start3A_18 = arith.constant 0 : i32
      %dma_start3A_19 = arith.constant 0 : i32
      %dma_start3A_20 = tpu.memref_slice %arg2[%add3A, %dma_start3A_18, %dma_start3A_19] : memref<32x160x64xi32, #tpu.memory_space<hbm>> -> memref<1x160x64xi32, #tpu.memory_space<hbm>>
      %dma_start3A_21 = tpu.memref_squeeze %dma_start3A_20 : memref<1x160x64xi32, #tpu.memory_space<hbm>> -> memref<160x64xi32, #tpu.memory_space<hbm>>
      tpu.enqueue_dma source(%dma_start3A_21 : memref<160x64xi32, #tpu.memory_space<hbm>>) target(%arg6 : memref<160x64xi32, #tpu.memory_space<vmem>>) target_semaphore(%run_scoped3A : memref<!tpu.dma_semaphore, #tpu.memory_space<semaphore_mem>>)
      %dma_wait3A = arith.constant 0 : i32
      %dma_wait3A_22 = arith.constant 0 : i32
      %dma_wait3A_23 = tpu.memref_slice %arg2[%add3A, %dma_wait3A, %dma_wait3A_22] : memref<32x160x64xi32, #tpu.memory_space<hbm>> -> memref<1x160x64xi32, #tpu.memory_space<hbm>>
      %dma_wait3A_24 = tpu.memref_squeeze %dma_wait3A_23 : memref<1x160x64xi32, #tpu.memory_space<hbm>> -> memref<160x64xi32, #tpu.memory_space<hbm>>
      %dma_wait3A_25 = arith.constant 0 : i32
      %dma_wait3A_26 = arith.constant 0 : i32
      %dma_wait3A_27 = tpu.memref_slice %arg2[%add3A, %dma_wait3A_25, %dma_wait3A_26] : memref<32x160x64xi32, #tpu.memory_space<hbm>> -> memref<1x160x64xi32, #tpu.memory_space<hbm>>
      %dma_wait3A_28 = tpu.memref_squeeze %dma_wait3A_27 : memref<1x160x64xi32, #tpu.memory_space<hbm>> -> memref<160x64xi32, #tpu.memory_space<hbm>>
      tpu.wait_dma2 semaphore(%run_scoped3A : memref<!tpu.dma_semaphore, #tpu.memory_space<semaphore_mem>>) src(%dma_wait3A_28 : memref<160x64xi32, #tpu.memory_space<hbm>>) dst(%arg6 : memref<160x64xi32, #tpu.memory_space<vmem>>)
      tpu.yield
    }) : () -> ()
    "tpu.region"() ({
      %run_scoped3A = tpu.sem_alloc : memref<!tpu.dma_semaphore, #tpu.memory_space<semaphore_mem>>
      tpu.enqueue_dma source(%arg4 : memref<64xf32, #tpu.memory_space<hbm>>) target(%arg7 : memref<64xf32, #tpu.memory_space<vmem>>) target_semaphore(%run_scoped3A : memref<!tpu.dma_semaphore, #tpu.memory_space<semaphore_mem>>)
      tpu.wait_dma2 semaphore(%run_scoped3A : memref<!tpu.dma_semaphore, #tpu.memory_space<semaphore_mem>>) src(%arg4 : memref<64xf32, #tpu.memory_space<hbm>>) dst(%arg7 : memref<64xf32, #tpu.memory_space<vmem>>)
      tpu.yield
    }) : () -> ()
    %mul3A_1 = arith.constant 640 : i32
    %mul3A_2 = arith.muli %arg1, %mul3A_1 : i32
    %mul3A_3 = arith.constant 640 : i32
    %mul3A_4 = arith.muli %arg1, %mul3A_3 : i32
    "tpu.region"() ({
      %run_scoped3A = tpu.sem_alloc : memref<!tpu.dma_semaphore, #tpu.memory_space<semaphore_mem>>
      %dma_start3A = tpu.memref_slice %arg8[%mul3A_4] : memref<10240xf32, #tpu.memory_space<vmem_shared>> -> memref<640xf32, #tpu.memory_space<vmem_shared>>
      %dma_start3A_15 = tpu.memref_slice %arg3[%mul3A_2] : memref<10240xf32, #tpu.memory_space<hbm>> -> memref<640xf32, #tpu.memory_space<hbm>>
      tpu.enqueue_dma source(%dma_start3A_15 : memref<640xf32, #tpu.memory_space<hbm>>) target(%dma_start3A : memref<640xf32, #tpu.memory_space<vmem_shared>>) target_semaphore(%run_scoped3A : memref<!tpu.dma_semaphore, #tpu.memory_space<semaphore_mem>>)
      %dma_wait3A = tpu.memref_slice %arg8[%mul3A_4] : memref<10240xf32, #tpu.memory_space<vmem_shared>> -> memref<640xf32, #tpu.memory_space<vmem_shared>>
      %dma_wait3A_16 = tpu.memref_slice %arg3[%mul3A_2] : memref<10240xf32, #tpu.memory_space<hbm>> -> memref<640xf32, #tpu.memory_space<hbm>>
      tpu.wait_dma2 semaphore(%run_scoped3A : memref<!tpu.dma_semaphore, #tpu.memory_space<semaphore_mem>>) src(%dma_wait3A_16 : memref<640xf32, #tpu.memory_space<hbm>>) dst(%dma_wait3A : memref<640xf32, #tpu.memory_space<vmem_shared>>)
      tpu.yield
    }) : () -> ()
    %barrier3A = arith.constant 0 : index
    tpu.barrier barrier_id(%barrier3A)
    %scan3A = arith.constant 0 : i32
    %scan3A_5 = arith.constant 0 : i32
    %scan3A_6 = arith.constant 160 : i32
    %scan3A_7 = arith.addi %scan3A_5, %scan3A_6 : i32
    %scan3A_8 = arith.constant 1 : i32
    scf.for %scan3A_15 = %scan3A_5 to %scan3A_7 step %scan3A_8  : i32 {
      "tpu.region"() ({
        %run_scoped3A = tpu.sem_alloc : memref<!tpu.dma_semaphore, #tpu.memory_space<semaphore_mem>>
        %dma_start3A = arith.constant 0 : i32
        %dma_start3A_16 = tpu.memref_slice %arg6[%scan3A_15, %dma_start3A] : memref<160x64xi32, #tpu.memory_space<vmem>> -> memref<1x64xi32, #tpu.memory_space<vmem>>
        %dma_start3A_17 = tpu.memref_squeeze %dma_start3A_16 : memref<1x64xi32, #tpu.memory_space<vmem>> -> memref<64xi32, #tpu.memory_space<vmem>>
        %dma_start3A_18 = arith.constant 0 : i32
        %dma_start3A_19 = tpu.memref_slice %arg8[%dma_start3A_18] : memref<10240xf32, #tpu.memory_space<vmem_shared>> -> memref<10240xf32, #tpu.memory_space<vmem_shared>>
        tpu.enqueue_indirect_dma source(%arg7 : memref<64xf32, #tpu.memory_space<vmem>>) target(%dma_start3A_19 : memref<10240xf32, #tpu.memory_space<vmem_shared>>) offsets(%dma_start3A_17 : memref<64xi32, #tpu.memory_space<vmem>>) semaphore(%run_scoped3A : memref<!tpu.dma_semaphore, #tpu.memory_space<semaphore_mem>>) {add = true}
        %dma_wait3A = arith.constant 0 : i32
        %dma_wait3A_20 = tpu.memref_slice %arg6[%scan3A_15, %dma_wait3A] : memref<160x64xi32, #tpu.memory_space<vmem>> -> memref<1x64xi32, #tpu.memory_space<vmem>>
        %dma_wait3A_21 = tpu.memref_squeeze %dma_wait3A_20 : memref<1x64xi32, #tpu.memory_space<vmem>> -> memref<64xi32, #tpu.memory_space<vmem>>
        %dma_wait3A_22 = arith.constant 0 : i32
        %dma_wait3A_23 = tpu.memref_slice %arg8[%dma_wait3A_22] : memref<10240xf32, #tpu.memory_space<vmem_shared>> -> memref<10240xf32, #tpu.memory_space<vmem_shared>>
        tpu.wait_indirect_dma semaphore(%run_scoped3A : memref<!tpu.dma_semaphore, #tpu.memory_space<semaphore_mem>>) src(%arg7 : memref<64xf32, #tpu.memory_space<vmem>>) dst(%dma_wait3A_23 : memref<10240xf32, #tpu.memory_space<vmem_shared>>)
        tpu.yield
      }) : () -> ()
    }
    %scan3A_9 = arith.constant 160 : i32
    %barrier3A_10 = arith.constant 0 : index
    tpu.barrier barrier_id(%barrier3A_10)
    %mul3A_11 = arith.constant 640 : i32
    %mul3A_12 = arith.muli %arg1, %mul3A_11 : i32
    %mul3A_13 = arith.constant 640 : i32
    %mul3A_14 = arith.muli %arg1, %mul3A_13 : i32
    "tpu.region"() ({
      %run_scoped3A = tpu.sem_alloc : memref<!tpu.dma_semaphore, #tpu.memory_space<semaphore_mem>>
      %dma_start3A = tpu.memref_slice %arg5[%arg0, %mul3A_14] : memref<2x10240xf32, #tpu.memory_space<hbm>> -> memref<1x640xf32, #tpu.memory_space<hbm>>
      %dma_start3A_15 = tpu.memref_squeeze %dma_start3A : memref<1x640xf32, #tpu.memory_space<hbm>> -> memref<640xf32, #tpu.memory_space<hbm>>
      %dma_start3A_16 = tpu.memref_slice %arg8[%mul3A_12] : memref<10240xf32, #tpu.memory_space<vmem_shared>> -> memref<640xf32, #tpu.memory_space<vmem_shared>>
      tpu.enqueue_dma source(%dma_start3A_16 : memref<640xf32, #tpu.memory_space<vmem_shared>>) target(%dma_start3A_15 : memref<640xf32, #tpu.memory_space<hbm>>) target_semaphore(%run_scoped3A : memref<!tpu.dma_semaphore, #tpu.memory_space<semaphore_mem>>)
      %dma_wait3A = tpu.memref_slice %arg5[%arg0, %mul3A_14] : memref<2x10240xf32, #tpu.memory_space<hbm>> -> memref<1x640xf32, #tpu.memory_space<hbm>>
      %dma_wait3A_17 = tpu.memref_squeeze %dma_wait3A : memref<1x640xf32, #tpu.memory_space<hbm>> -> memref<640xf32, #tpu.memory_space<hbm>>
      %dma_wait3A_18 = tpu.memref_slice %arg8[%mul3A_12] : memref<10240xf32, #tpu.memory_space<vmem_shared>> -> memref<640xf32, #tpu.memory_space<vmem_shared>>
      tpu.wait_dma2 semaphore(%run_scoped3A : memref<!tpu.dma_semaphore, #tpu.memory_space<semaphore_mem>>) src(%dma_wait3A_18 : memref<640xf32, #tpu.memory_space<vmem_shared>>) dst(%dma_wait3A_17 : memref<640xf32, #tpu.memory_space<hbm>>)
      tpu.yield
    }) : () -> ()
    return
  }
}

#map = affine_map<(d0, d1) -> (0, 0)>
#map1 = affine_map<(d0, d1) -> (0, 0, 0)>
module attributes {stable_mosaic.version = 14 : i64} {
  func.func @_agg_kernel(%arg0: i32, %arg1: i32, %arg2: memref<10240x128xf32, #tpu.memory_space<hbm>>, %arg3: memref<5184x1x64xi32, #tpu.memory_space<hbm>>, %arg4: memref<5184x64xi32, #tpu.memory_space<hbm>>, %arg5: memref<10240x128xf32, #tpu.memory_space<hbm>>, %arg6: memref<2x10240x128xf32, #tpu.memory_space<hbm>>, %arg7: memref<4x1x64xi32, #tpu.memory_space<vmem>>, %arg8: memref<256x64xi32, #tpu.memory_space<vmem>>, %arg9: memref<2x64x128xf32, #tpu.memory_space<vmem>>, %arg10: memref<10112x128xf32, #tpu.memory_space<vmem_shared>>, %arg11: memref<!tpu.dma_semaphore, #tpu.memory_space<semaphore_mem>>, %arg12: memref<!tpu.dma_semaphore, #tpu.memory_space<semaphore_mem>>) attributes {dimension_semantics = [#tpu.dimension_semantics<core_parallel>, #tpu.dimension_semantics<subcore_parallel>], iteration_bounds = array<i64: 2, 16>, scalar_prefetch = 0 : i64, scratch_operands = 6 : i64, tpu.core_type = #tpu.core_type<sc_vector_subcore>, window_params = [{transform_indices = #map}, {transform_indices = #map1}, {transform_indices = #map}, {transform_indices = #map}, {transform_indices = #map1}]} {
    %eq3A = arith.constant 0 : i32
    %eq3A_0 = arith.cmpi eq, %arg0, %eq3A : i32
    %jit3A = arith.constant 256 : i32
    %jit3A_1 = arith.constant 64 : i32
    %select_n3A = arith.select %eq3A_0, %jit3A, %jit3A_1 : i32
    %eq3A_2 = arith.constant 0 : i32
    %eq3A_3 = arith.cmpi eq, %arg0, %eq3A_2 : i32
    %mul3A = arith.constant 256 : i32
    %mul3A_4 = arith.muli %arg1, %mul3A : i32
    %mul3A_5 = arith.constant 64 : i32
    %mul3A_6 = arith.muli %arg1, %mul3A_5 : i32
    %add3A = arith.constant 4096 : i32
    %add3A_7 = arith.addi %add3A, %mul3A_6 : i32
    %select_n3A_8 = arith.select %eq3A_3, %mul3A_4, %add3A_7 : i32
    %multiple_of3A = tpu.assume_multiple %select_n3A_8, 8 : i32
    "tpu.region"() ({
      %run_scoped3A = tpu.sem_alloc : memref<!tpu.dma_semaphore, #tpu.memory_space<semaphore_mem>>
      %dma_start3A_95 = arith.constant 0 : i32
      %dma_start3A_96 = tpu.memref_slice %arg4[%multiple_of3A, %dma_start3A_95] : memref<5184x64xi32, #tpu.memory_space<hbm>> -> memref<256x64xi32, #tpu.memory_space<hbm>>
      %dma_start3A_97 = arith.constant 0 : i32
      %dma_start3A_98 = tpu.memref_slice %arg4[%multiple_of3A, %dma_start3A_97] : memref<5184x64xi32, #tpu.memory_space<hbm>> -> memref<256x64xi32, #tpu.memory_space<hbm>>
      tpu.enqueue_dma source(%dma_start3A_98 : memref<256x64xi32, #tpu.memory_space<hbm>>) target(%arg8 : memref<256x64xi32, #tpu.memory_space<vmem>>) target_semaphore(%run_scoped3A : memref<!tpu.dma_semaphore, #tpu.memory_space<semaphore_mem>>)
      %dma_wait3A_99 = arith.constant 0 : i32
      %dma_wait3A_100 = tpu.memref_slice %arg4[%multiple_of3A, %dma_wait3A_99] : memref<5184x64xi32, #tpu.memory_space<hbm>> -> memref<256x64xi32, #tpu.memory_space<hbm>>
      %dma_wait3A_101 = arith.constant 0 : i32
      %dma_wait3A_102 = tpu.memref_slice %arg4[%multiple_of3A, %dma_wait3A_101] : memref<5184x64xi32, #tpu.memory_space<hbm>> -> memref<256x64xi32, #tpu.memory_space<hbm>>
      tpu.wait_dma2 semaphore(%run_scoped3A : memref<!tpu.dma_semaphore, #tpu.memory_space<semaphore_mem>>) src(%dma_wait3A_102 : memref<256x64xi32, #tpu.memory_space<hbm>>) dst(%arg8 : memref<256x64xi32, #tpu.memory_space<vmem>>)
      tpu.yield
    }) : () -> ()
    %mul3A_9 = arith.constant 632 : i32
    %mul3A_10 = arith.muli %arg1, %mul3A_9 : i32
    %mul3A_11 = arith.constant 632 : i32
    %mul3A_12 = arith.muli %arg1, %mul3A_11 : i32
    "tpu.region"() ({
      %run_scoped3A = tpu.sem_alloc : memref<!tpu.dma_semaphore, #tpu.memory_space<semaphore_mem>>
      %dma_start3A_95 = arith.constant 0 : i32
      %dma_start3A_96 = tpu.memref_slice %arg10[%mul3A_12, %dma_start3A_95] : memref<10112x128xf32, #tpu.memory_space<vmem_shared>> -> memref<632x128xf32, #tpu.memory_space<vmem_shared>>
      %dma_start3A_97 = arith.constant 0 : i32
      %dma_start3A_98 = tpu.memref_slice %arg5[%mul3A_10, %dma_start3A_97] : memref<10240x128xf32, #tpu.memory_space<hbm>> -> memref<632x128xf32, #tpu.memory_space<hbm>>
      tpu.enqueue_dma source(%dma_start3A_98 : memref<632x128xf32, #tpu.memory_space<hbm>>) target(%dma_start3A_96 : memref<632x128xf32, #tpu.memory_space<vmem_shared>>) target_semaphore(%run_scoped3A : memref<!tpu.dma_semaphore, #tpu.memory_space<semaphore_mem>>)
      %dma_wait3A_99 = arith.constant 0 : i32
      %dma_wait3A_100 = tpu.memref_slice %arg10[%mul3A_12, %dma_wait3A_99] : memref<10112x128xf32, #tpu.memory_space<vmem_shared>> -> memref<632x128xf32, #tpu.memory_space<vmem_shared>>
      %dma_wait3A_101 = arith.constant 0 : i32
      %dma_wait3A_102 = tpu.memref_slice %arg5[%mul3A_10, %dma_wait3A_101] : memref<10240x128xf32, #tpu.memory_space<hbm>> -> memref<632x128xf32, #tpu.memory_space<hbm>>
      tpu.wait_dma2 semaphore(%run_scoped3A : memref<!tpu.dma_semaphore, #tpu.memory_space<semaphore_mem>>) src(%dma_wait3A_102 : memref<632x128xf32, #tpu.memory_space<hbm>>) dst(%dma_wait3A_100 : memref<632x128xf32, #tpu.memory_space<vmem_shared>>)
      tpu.yield
    }) : () -> ()
    %barrier3A = arith.constant 0 : index
    tpu.barrier barrier_id(%barrier3A)
    %add3A_13 = arith.constant 0 : i32
    %add3A_14 = arith.addi %multiple_of3A, %add3A_13 : i32
    %dma_start3A = arith.constant 0 : i32
    %dma_start3A_15 = arith.constant 0 : i32
    %dma_start3A_16 = arith.constant 0 : i32
    %dma_start3A_17 = tpu.memref_slice %arg7[%dma_start3A, %dma_start3A_15, %dma_start3A_16] : memref<4x1x64xi32, #tpu.memory_space<vmem>> -> memref<1x1x64xi32, #tpu.memory_space<vmem>>
    %dma_start3A_18 = tpu.memref_squeeze %dma_start3A_17 : memref<1x1x64xi32, #tpu.memory_space<vmem>> -> memref<1x64xi32, #tpu.memory_space<vmem>>
    %dma_start3A_19 = arith.constant 0 : i32
    %dma_start3A_20 = arith.constant 0 : i32
    %dma_start3A_21 = tpu.memref_slice %arg3[%add3A_14, %dma_start3A_19, %dma_start3A_20] : memref<5184x1x64xi32, #tpu.memory_space<hbm>> -> memref<1x1x64xi32, #tpu.memory_space<hbm>>
    %dma_start3A_22 = tpu.memref_squeeze %dma_start3A_21 : memref<1x1x64xi32, #tpu.memory_space<hbm>> -> memref<1x64xi32, #tpu.memory_space<hbm>>
    %dma_start3A_23 = arith.constant 0 : i32
    %dma_start3A_24 = arith.constant 0 : i32
    %dma_start3A_25 = tpu.memref_slice %arg7[%dma_start3A, %dma_start3A_23, %dma_start3A_24] : memref<4x1x64xi32, #tpu.memory_space<vmem>> -> memref<1x1x64xi32, #tpu.memory_space<vmem>>
    %dma_start3A_26 = tpu.memref_squeeze %dma_start3A_25 : memref<1x1x64xi32, #tpu.memory_space<vmem>> -> memref<1x64xi32, #tpu.memory_space<vmem>>
    %dma_start3A_27 = arith.constant 0 : i32
    %dma_start3A_28 = arith.constant 0 : i32
    %dma_start3A_29 = tpu.memref_slice %arg3[%add3A_14, %dma_start3A_27, %dma_start3A_28] : memref<5184x1x64xi32, #tpu.memory_space<hbm>> -> memref<1x1x64xi32, #tpu.memory_space<hbm>>
    %dma_start3A_30 = tpu.memref_squeeze %dma_start3A_29 : memref<1x1x64xi32, #tpu.memory_space<hbm>> -> memref<1x64xi32, #tpu.memory_space<hbm>>
    tpu.enqueue_dma source(%dma_start3A_30 : memref<1x64xi32, #tpu.memory_space<hbm>>) target(%dma_start3A_26 : memref<1x64xi32, #tpu.memory_space<vmem>>) target_semaphore(%arg12 : memref<!tpu.dma_semaphore, #tpu.memory_space<semaphore_mem>>)
    %add3A_31 = arith.constant 1 : i32
    %add3A_32 = arith.addi %multiple_of3A, %add3A_31 : i32
    %dma_start3A_33 = arith.constant 1 : i32
    %dma_start3A_34 = arith.constant 0 : i32
    %dma_start3A_35 = arith.constant 0 : i32
    %dma_start3A_36 = tpu.memref_slice %arg7[%dma_start3A_33, %dma_start3A_34, %dma_start3A_35] : memref<4x1x64xi32, #tpu.memory_space<vmem>> -> memref<1x1x64xi32, #tpu.memory_space<vmem>>
    %dma_start3A_37 = tpu.memref_squeeze %dma_start3A_36 : memref<1x1x64xi32, #tpu.memory_space<vmem>> -> memref<1x64xi32, #tpu.memory_space<vmem>>
    %dma_start3A_38 = arith.constant 0 : i32
    %dma_start3A_39 = arith.constant 0 : i32
    %dma_start3A_40 = tpu.memref_slice %arg3[%add3A_32, %dma_start3A_38, %dma_start3A_39] : memref<5184x1x64xi32, #tpu.memory_space<hbm>> -> memref<1x1x64xi32, #tpu.memory_space<hbm>>
    %dma_start3A_41 = tpu.memref_squeeze %dma_start3A_40 : memref<1x1x64xi32, #tpu.memory_space<hbm>> -> memref<1x64xi32, #tpu.memory_space<hbm>>
    %dma_start3A_42 = arith.constant 0 : i32
    %dma_start3A_43 = arith.constant 0 : i32
    %dma_start3A_44 = tpu.memref_slice %arg7[%dma_start3A_33, %dma_start3A_42, %dma_start3A_43] : memref<4x1x64xi32, #tpu.memory_space<vmem>> -> memref<1x1x64xi32, #tpu.memory_space<vmem>>
    %dma_start3A_45 = tpu.memref_squeeze %dma_start3A_44 : memref<1x1x64xi32, #tpu.memory_space<vmem>> -> memref<1x64xi32, #tpu.memory_space<vmem>>
    %dma_start3A_46 = arith.constant 0 : i32
    %dma_start3A_47 = arith.constant 0 : i32
    %dma_start3A_48 = tpu.memref_slice %arg3[%add3A_32, %dma_start3A_46, %dma_start3A_47] : memref<5184x1x64xi32, #tpu.memory_space<hbm>> -> memref<1x1x64xi32, #tpu.memory_space<hbm>>
    %dma_start3A_49 = tpu.memref_squeeze %dma_start3A_48 : memref<1x1x64xi32, #tpu.memory_space<hbm>> -> memref<1x64xi32, #tpu.memory_space<hbm>>
    tpu.enqueue_dma source(%dma_start3A_49 : memref<1x64xi32, #tpu.memory_space<hbm>>) target(%dma_start3A_45 : memref<1x64xi32, #tpu.memory_space<vmem>>) target_semaphore(%arg12 : memref<!tpu.dma_semaphore, #tpu.memory_space<semaphore_mem>>)
    %add3A_50 = arith.constant 0 : i32
    %add3A_51 = arith.addi %multiple_of3A, %add3A_50 : i32
    %dma_wait3A = arith.constant 0 : i32
    %dma_wait3A_52 = arith.constant 0 : i32
    %dma_wait3A_53 = arith.constant 0 : i32
    %dma_wait3A_54 = tpu.memref_slice %arg7[%dma_wait3A, %dma_wait3A_52, %dma_wait3A_53] : memref<4x1x64xi32, #tpu.memory_space<vmem>> -> memref<1x1x64xi32, #tpu.memory_space<vmem>>
    %dma_wait3A_55 = tpu.memref_squeeze %dma_wait3A_54 : memref<1x1x64xi32, #tpu.memory_space<vmem>> -> memref<1x64xi32, #tpu.memory_space<vmem>>
    %dma_wait3A_56 = arith.constant 0 : i32
    %dma_wait3A_57 = arith.constant 0 : i32
    %dma_wait3A_58 = tpu.memref_slice %arg3[%add3A_51, %dma_wait3A_56, %dma_wait3A_57] : memref<5184x1x64xi32, #tpu.memory_space<hbm>> -> memref<1x1x64xi32, #tpu.memory_space<hbm>>
    %dma_wait3A_59 = tpu.memref_squeeze %dma_wait3A_58 : memref<1x1x64xi32, #tpu.memory_space<hbm>> -> memref<1x64xi32, #tpu.memory_space<hbm>>
    %dma_wait3A_60 = arith.constant 0 : i32
    %dma_wait3A_61 = arith.constant 0 : i32
    %dma_wait3A_62 = tpu.memref_slice %arg7[%dma_wait3A, %dma_wait3A_60, %dma_wait3A_61] : memref<4x1x64xi32, #tpu.memory_space<vmem>> -> memref<1x1x64xi32, #tpu.memory_space<vmem>>
    %dma_wait3A_63 = tpu.memref_squeeze %dma_wait3A_62 : memref<1x1x64xi32, #tpu.memory_space<vmem>> -> memref<1x64xi32, #tpu.memory_space<vmem>>
    %dma_wait3A_64 = arith.constant 0 : i32
    %dma_wait3A_65 = arith.constant 0 : i32
    %dma_wait3A_66 = tpu.memref_slice %arg3[%add3A_51, %dma_wait3A_64, %dma_wait3A_65] : memref<5184x1x64xi32, #tpu.memory_space<hbm>> -> memref<1x1x64xi32, #tpu.memory_space<hbm>>
    %dma_wait3A_67 = tpu.memref_squeeze %dma_wait3A_66 : memref<1x1x64xi32, #tpu.memory_space<hbm>> -> memref<1x64xi32, #tpu.memory_space<hbm>>
    tpu.wait_dma2 semaphore(%arg12 : memref<!tpu.dma_semaphore, #tpu.memory_space<semaphore_mem>>) src(%dma_wait3A_67 : memref<1x64xi32, #tpu.memory_space<hbm>>) dst(%dma_wait3A_63 : memref<1x64xi32, #tpu.memory_space<vmem>>)
    %dma_start3A_68 = arith.constant 0 : i32
    %dma_start3A_69 = arith.constant 0 : i32
    %dma_start3A_70 = arith.constant 0 : i32
    %dma_start3A_71 = arith.constant 0 : i32
    %dma_start3A_72 = arith.constant 0 : i32
    %dma_start3A_73 = tpu.memref_slice %arg9[%dma_start3A_70, %dma_start3A_71, %dma_start3A_72] : memref<2x64x128xf32, #tpu.memory_space<vmem>> -> memref<1x64x128xf32, #tpu.memory_space<vmem>>
    %dma_start3A_74 = tpu.memref_squeeze %dma_start3A_73 : memref<1x64x128xf32, #tpu.memory_space<vmem>> -> memref<64x128xf32, #tpu.memory_space<vmem>>
    %dma_start3A_75 = arith.constant 0 : i32
    %dma_start3A_76 = tpu.memref_slice %arg7[%dma_start3A_68, %dma_start3A_69, %dma_start3A_75] : memref<4x1x64xi32, #tpu.memory_space<vmem>> -> memref<1x1x64xi32, #tpu.memory_space<vmem>>
    %dma_start3A_77 = tpu.memref_squeeze %dma_start3A_76 : memref<1x1x64xi32, #tpu.memory_space<vmem>> -> memref<64xi32, #tpu.memory_space<vmem>>
    %dma_start3A_78 = arith.constant 0 : i32
    %dma_start3A_79 = arith.constant 0 : i32
    %dma_start3A_80 = tpu.memref_slice %arg2[%dma_start3A_78, %dma_start3A_79] : memref<10240x128xf32, #tpu.memory_space<hbm>> -> memref<10240x128xf32, #tpu.memory_space<hbm>>
    tpu.enqueue_indirect_dma source(%dma_start3A_80 : memref<10240x128xf32, #tpu.memory_space<hbm>>) target(%dma_start3A_74 : memref<64x128xf32, #tpu.memory_space<vmem>>) offsets(%dma_start3A_77 : memref<64xi32, #tpu.memory_space<vmem>>) semaphore(%arg11 : memref<!tpu.dma_semaphore, #tpu.memory_space<semaphore_mem>>)
    %while3A = arith.constant 0 : i32
    %while3A_81 = arith.constant 0 : i32
    %while3A_82 = arith.subi %select_n3A, %while3A_81 : i32
    %while3A_83 = arith.addi %while3A_81, %while3A_82 : i32
    %while3A_84 = arith.constant 1 : i32
    %while3A_85 = arith.divsi %while3A_82, %while3A_84 : i32
    %while3A_86 = arith.muli %while3A_85, %while3A_84 : i32
    %while3A_87 = arith.addi %while3A_81, %while3A_86 : i32
    %while3A_88 = arith.constant 1 : i32
    scf.for %while3A_95 = %while3A_81 to %while3A_87 step %while3A_88  : i32 {
      %add3A_96 = arith.constant 1 : i32
      %add3A_97 = arith.addi %while3A_95, %add3A_96 : i32
      %lt3A = arith.cmpi slt, %add3A_97, %select_n3A : i32
      %convert_element_type3A = arith.extui %lt3A : i1 to i32
      %cond3A = arith.constant 0 : i32
      %cond3A_98 = arith.cmpi ne, %convert_element_type3A, %cond3A : i32
      scf.if %cond3A_98 {
        %add3A_161 = arith.constant 1 : i32
        %add3A_162 = arith.addi %while3A_95, %add3A_161 : i32
        %add3A_163 = arith.addi %multiple_of3A, %add3A_162 : i32
        %jit3A_164 = arith.constant 4 : i32
        %eq3A_165 = arith.constant 0 : i32
        %eq3A_166 = arith.cmpi eq, %jit3A_164, %eq3A_165 : i32
        %jit3A_167 = arith.constant 1 : i32
        %select_n3A_168 = arith.select %eq3A_166, %jit3A_167, %jit3A_164 : i32
        %rem3A_169 = arith.remsi %add3A_162, %select_n3A_168 : i32
        %ne3A_170 = arith.constant 0 : i32
        %ne3A_171 = arith.cmpi ne, %rem3A_169, %ne3A_170 : i32
        %lt3A_172 = arith.constant 0 : i32
        %lt3A_173 = arith.cmpi slt, %rem3A_169, %lt3A_172 : i32
        %lt3A_174 = arith.constant 0 : i32
        %lt3A_175 = arith.cmpi slt, %select_n3A_168, %lt3A_174 : i32
        %ne3A_176 = arith.xori %lt3A_173, %lt3A_175 : i1
        %and3A_177 = arith.andi %ne3A_176, %ne3A_171 : i1
        %add3A_178 = arith.addi %rem3A_169, %select_n3A_168 : i32
        %select_n3A_179 = arith.select %and3A_177, %add3A_178, %rem3A_169 : i32
        %dma_wait3A_180 = arith.constant 0 : i32
        %dma_wait3A_181 = arith.constant 0 : i32
        %dma_wait3A_182 = tpu.memref_slice %arg7[%select_n3A_179, %dma_wait3A_180, %dma_wait3A_181] : memref<4x1x64xi32, #tpu.memory_space<vmem>> -> memref<1x1x64xi32, #tpu.memory_space<vmem>>
        %dma_wait3A_183 = tpu.memref_squeeze %dma_wait3A_182 : memref<1x1x64xi32, #tpu.memory_space<vmem>> -> memref<1x64xi32, #tpu.memory_space<vmem>>
        %dma_wait3A_184 = arith.constant 0 : i32
        %dma_wait3A_185 = arith.constant 0 : i32
        %dma_wait3A_186 = tpu.memref_slice %arg3[%add3A_163, %dma_wait3A_184, %dma_wait3A_185] : memref<5184x1x64xi32, #tpu.memory_space<hbm>> -> memref<1x1x64xi32, #tpu.memory_space<hbm>>
        %dma_wait3A_187 = tpu.memref_squeeze %dma_wait3A_186 : memref<1x1x64xi32, #tpu.memory_space<hbm>> -> memref<1x64xi32, #tpu.memory_space<hbm>>
        %dma_wait3A_188 = arith.constant 0 : i32
        %dma_wait3A_189 = arith.constant 0 : i32
        %dma_wait3A_190 = tpu.memref_slice %arg7[%select_n3A_179, %dma_wait3A_188, %dma_wait3A_189] : memref<4x1x64xi32, #tpu.memory_space<vmem>> -> memref<1x1x64xi32, #tpu.memory_space<vmem>>
        %dma_wait3A_191 = tpu.memref_squeeze %dma_wait3A_190 : memref<1x1x64xi32, #tpu.memory_space<vmem>> -> memref<1x64xi32, #tpu.memory_space<vmem>>
        %dma_wait3A_192 = arith.constant 0 : i32
        %dma_wait3A_193 = arith.constant 0 : i32
        %dma_wait3A_194 = tpu.memref_slice %arg3[%add3A_163, %dma_wait3A_192, %dma_wait3A_193] : memref<5184x1x64xi32, #tpu.memory_space<hbm>> -> memref<1x1x64xi32, #tpu.memory_space<hbm>>
        %dma_wait3A_195 = tpu.memref_squeeze %dma_wait3A_194 : memref<1x1x64xi32, #tpu.memory_space<hbm>> -> memref<1x64xi32, #tpu.memory_space<hbm>>
        tpu.wait_dma2 semaphore(%arg12 : memref<!tpu.dma_semaphore, #tpu.memory_space<semaphore_mem>>) src(%dma_wait3A_195 : memref<1x64xi32, #tpu.memory_space<hbm>>) dst(%dma_wait3A_191 : memref<1x64xi32, #tpu.memory_space<vmem>>)
        %add3A_196 = arith.constant 1 : i32
        %add3A_197 = arith.addi %while3A_95, %add3A_196 : i32
        %jit3A_198 = arith.constant 4 : i32
        %eq3A_199 = arith.constant 0 : i32
        %eq3A_200 = arith.cmpi eq, %jit3A_198, %eq3A_199 : i32
        %jit3A_201 = arith.constant 1 : i32
        %select_n3A_202 = arith.select %eq3A_200, %jit3A_201, %jit3A_198 : i32
        %rem3A_203 = arith.remsi %add3A_197, %select_n3A_202 : i32
        %ne3A_204 = arith.constant 0 : i32
        %ne3A_205 = arith.cmpi ne, %rem3A_203, %ne3A_204 : i32
        %lt3A_206 = arith.constant 0 : i32
        %lt3A_207 = arith.cmpi slt, %rem3A_203, %lt3A_206 : i32
        %lt3A_208 = arith.constant 0 : i32
        %lt3A_209 = arith.cmpi slt, %select_n3A_202, %lt3A_208 : i32
        %ne3A_210 = arith.xori %lt3A_207, %lt3A_209 : i1
        %and3A_211 = arith.andi %ne3A_210, %ne3A_205 : i1
        %add3A_212 = arith.addi %rem3A_203, %select_n3A_202 : i32
        %select_n3A_213 = arith.select %and3A_211, %add3A_212, %rem3A_203 : i32
        %jit3A_214 = arith.constant 2 : i32
        %eq3A_215 = arith.constant 0 : i32
        %eq3A_216 = arith.cmpi eq, %jit3A_214, %eq3A_215 : i32
        %jit3A_217 = arith.constant 1 : i32
        %select_n3A_218 = arith.select %eq3A_216, %jit3A_217, %jit3A_214 : i32
        %rem3A_219 = arith.remsi %add3A_197, %select_n3A_218 : i32
        %ne3A_220 = arith.constant 0 : i32
        %ne3A_221 = arith.cmpi ne, %rem3A_219, %ne3A_220 : i32
        %lt3A_222 = arith.constant 0 : i32
        %lt3A_223 = arith.cmpi slt, %rem3A_219, %lt3A_222 : i32
        %lt3A_224 = arith.constant 0 : i32
        %lt3A_225 = arith.cmpi slt, %select_n3A_218, %lt3A_224 : i32
        %ne3A_226 = arith.xori %lt3A_223, %lt3A_225 : i1
        %and3A_227 = arith.andi %ne3A_226, %ne3A_221 : i1
        %add3A_228 = arith.addi %rem3A_219, %select_n3A_218 : i32
        %select_n3A_229 = arith.select %and3A_227, %add3A_228, %rem3A_219 : i32
        %dma_start3A_230 = arith.constant 0 : i32
        %dma_start3A_231 = arith.constant 0 : i32
        %dma_start3A_232 = arith.constant 0 : i32
        %dma_start3A_233 = tpu.memref_slice %arg9[%select_n3A_229, %dma_start3A_231, %dma_start3A_232] : memref<2x64x128xf32, #tpu.memory_space<vmem>> -> memref<1x64x128xf32, #tpu.memory_space<vmem>>
        %dma_start3A_234 = tpu.memref_squeeze %dma_start3A_233 : memref<1x64x128xf32, #tpu.memory_space<vmem>> -> memref<64x128xf32, #tpu.memory_space<vmem>>
        %dma_start3A_235 = arith.constant 0 : i32
        %dma_start3A_236 = tpu.memref_slice %arg7[%select_n3A_213, %dma_start3A_230, %dma_start3A_235] : memref<4x1x64xi32, #tpu.memory_space<vmem>> -> memref<1x1x64xi32, #tpu.memory_space<vmem>>
        %dma_start3A_237 = tpu.memref_squeeze %dma_start3A_236 : memref<1x1x64xi32, #tpu.memory_space<vmem>> -> memref<64xi32, #tpu.memory_space<vmem>>
        %dma_start3A_238 = arith.constant 0 : i32
        %dma_start3A_239 = arith.constant 0 : i32
        %dma_start3A_240 = tpu.memref_slice %arg2[%dma_start3A_238, %dma_start3A_239] : memref<10240x128xf32, #tpu.memory_space<hbm>> -> memref<10240x128xf32, #tpu.memory_space<hbm>>
        tpu.enqueue_indirect_dma source(%dma_start3A_240 : memref<10240x128xf32, #tpu.memory_space<hbm>>) target(%dma_start3A_234 : memref<64x128xf32, #tpu.memory_space<vmem>>) offsets(%dma_start3A_237 : memref<64xi32, #tpu.memory_space<vmem>>) semaphore(%arg11 : memref<!tpu.dma_semaphore, #tpu.memory_space<semaphore_mem>>)
      } else {
      }
      %add3A_99 = arith.constant 2 : i32
      %add3A_100 = arith.addi %while3A_95, %add3A_99 : i32
      %lt3A_101 = arith.cmpi slt, %add3A_100, %select_n3A : i32
      %convert_element_type3A_102 = arith.extui %lt3A_101 : i1 to i32
      %cond3A_103 = arith.constant 0 : i32
      %cond3A_104 = arith.cmpi ne, %convert_element_type3A_102, %cond3A_103 : i32
      scf.if %cond3A_104 {
        %add3A_161 = arith.constant 2 : i32
        %add3A_162 = arith.addi %while3A_95, %add3A_161 : i32
        %add3A_163 = arith.addi %multiple_of3A, %add3A_162 : i32
        %jit3A_164 = arith.constant 4 : i32
        %eq3A_165 = arith.constant 0 : i32
        %eq3A_166 = arith.cmpi eq, %jit3A_164, %eq3A_165 : i32
        %jit3A_167 = arith.constant 1 : i32
        %select_n3A_168 = arith.select %eq3A_166, %jit3A_167, %jit3A_164 : i32
        %rem3A_169 = arith.remsi %add3A_162, %select_n3A_168 : i32
        %ne3A_170 = arith.constant 0 : i32
        %ne3A_171 = arith.cmpi ne, %rem3A_169, %ne3A_170 : i32
        %lt3A_172 = arith.constant 0 : i32
        %lt3A_173 = arith.cmpi slt, %rem3A_169, %lt3A_172 : i32
        %lt3A_174 = arith.constant 0 : i32
        %lt3A_175 = arith.cmpi slt, %select_n3A_168, %lt3A_174 : i32
        %ne3A_176 = arith.xori %lt3A_173, %lt3A_175 : i1
        %and3A_177 = arith.andi %ne3A_176, %ne3A_171 : i1
        %add3A_178 = arith.addi %rem3A_169, %select_n3A_168 : i32
        %select_n3A_179 = arith.select %and3A_177, %add3A_178, %rem3A_169 : i32
        %dma_start3A_180 = arith.constant 0 : i32
        %dma_start3A_181 = arith.constant 0 : i32
        %dma_start3A_182 = tpu.memref_slice %arg7[%select_n3A_179, %dma_start3A_180, %dma_start3A_181] : memref<4x1x64xi32, #tpu.memory_space<vmem>> -> memref<1x1x64xi32, #tpu.memory_space<vmem>>
        %dma_start3A_183 = tpu.memref_squeeze %dma_start3A_182 : memref<1x1x64xi32, #tpu.memory_space<vmem>> -> memref<1x64xi32, #tpu.memory_space<vmem>>
        %dma_start3A_184 = arith.constant 0 : i32
        %dma_start3A_185 = arith.constant 0 : i32
        %dma_start3A_186 = tpu.memref_slice %arg3[%add3A_163, %dma_start3A_184, %dma_start3A_185] : memref<5184x1x64xi32, #tpu.memory_space<hbm>> -> memref<1x1x64xi32, #tpu.memory_space<hbm>>
        %dma_start3A_187 = tpu.memref_squeeze %dma_start3A_186 : memref<1x1x64xi32, #tpu.memory_space<hbm>> -> memref<1x64xi32, #tpu.memory_space<hbm>>
        %dma_start3A_188 = arith.constant 0 : i32
        %dma_start3A_189 = arith.constant 0 : i32
        %dma_start3A_190 = tpu.memref_slice %arg7[%select_n3A_179, %dma_start3A_188, %dma_start3A_189] : memref<4x1x64xi32, #tpu.memory_space<vmem>> -> memref<1x1x64xi32, #tpu.memory_space<vmem>>
        %dma_start3A_191 = tpu.memref_squeeze %dma_start3A_190 : memref<1x1x64xi32, #tpu.memory_space<vmem>> -> memref<1x64xi32, #tpu.memory_space<vmem>>
        %dma_start3A_192 = arith.constant 0 : i32
        %dma_start3A_193 = arith.constant 0 : i32
        %dma_start3A_194 = tpu.memref_slice %arg3[%add3A_163, %dma_start3A_192, %dma_start3A_193] : memref<5184x1x64xi32, #tpu.memory_space<hbm>> -> memref<1x1x64xi32, #tpu.memory_space<hbm>>
        %dma_start3A_195 = tpu.memref_squeeze %dma_start3A_194 : memref<1x1x64xi32, #tpu.memory_space<hbm>> -> memref<1x64xi32, #tpu.memory_space<hbm>>
        tpu.enqueue_dma source(%dma_start3A_195 : memref<1x64xi32, #tpu.memory_space<hbm>>) target(%dma_start3A_191 : memref<1x64xi32, #tpu.memory_space<vmem>>) target_semaphore(%arg12 : memref<!tpu.dma_semaphore, #tpu.memory_space<semaphore_mem>>)
      } else {
      }
      %jit3A_105 = arith.constant 4 : i32
      %eq3A_106 = arith.constant 0 : i32
      %eq3A_107 = arith.cmpi eq, %jit3A_105, %eq3A_106 : i32
      %jit3A_108 = arith.constant 1 : i32
      %select_n3A_109 = arith.select %eq3A_107, %jit3A_108, %jit3A_105 : i32
      %rem3A = arith.remsi %while3A_95, %select_n3A_109 : i32
      %ne3A = arith.constant 0 : i32
      %ne3A_110 = arith.cmpi ne, %rem3A, %ne3A : i32
      %lt3A_111 = arith.constant 0 : i32
      %lt3A_112 = arith.cmpi slt, %rem3A, %lt3A_111 : i32
      %lt3A_113 = arith.constant 0 : i32
      %lt3A_114 = arith.cmpi slt, %select_n3A_109, %lt3A_113 : i32
      %ne3A_115 = arith.xori %lt3A_112, %lt3A_114 : i1
      %and3A = arith.andi %ne3A_115, %ne3A_110 : i1
      %add3A_116 = arith.addi %rem3A, %select_n3A_109 : i32
      %select_n3A_117 = arith.select %and3A, %add3A_116, %rem3A : i32
      %jit3A_118 = arith.constant 2 : i32
      %eq3A_119 = arith.constant 0 : i32
      %eq3A_120 = arith.cmpi eq, %jit3A_118, %eq3A_119 : i32
      %jit3A_121 = arith.constant 1 : i32
      %select_n3A_122 = arith.select %eq3A_120, %jit3A_121, %jit3A_118 : i32
      %rem3A_123 = arith.remsi %while3A_95, %select_n3A_122 : i32
      %ne3A_124 = arith.constant 0 : i32
      %ne3A_125 = arith.cmpi ne, %rem3A_123, %ne3A_124 : i32
      %lt3A_126 = arith.constant 0 : i32
      %lt3A_127 = arith.cmpi slt, %rem3A_123, %lt3A_126 : i32
      %lt3A_128 = arith.constant 0 : i32
      %lt3A_129 = arith.cmpi slt, %select_n3A_122, %lt3A_128 : i32
      %ne3A_130 = arith.xori %lt3A_127, %lt3A_129 : i1
      %and3A_131 = arith.andi %ne3A_130, %ne3A_125 : i1
      %add3A_132 = arith.addi %rem3A_123, %select_n3A_122 : i32
      %select_n3A_133 = arith.select %and3A_131, %add3A_132, %rem3A_123 : i32
      %dma_wait3A_134 = arith.constant 0 : i32
      %dma_wait3A_135 = arith.constant 0 : i32
      %dma_wait3A_136 = arith.constant 0 : i32
      %dma_wait3A_137 = tpu.memref_slice %arg9[%select_n3A_133, %dma_wait3A_135, %dma_wait3A_136] : memref<2x64x128xf32, #tpu.memory_space<vmem>> -> memref<1x64x128xf32, #tpu.memory_space<vmem>>
      %dma_wait3A_138 = tpu.memref_squeeze %dma_wait3A_137 : memref<1x64x128xf32, #tpu.memory_space<vmem>> -> memref<64x128xf32, #tpu.memory_space<vmem>>
      %dma_wait3A_139 = arith.constant 0 : i32
      %dma_wait3A_140 = tpu.memref_slice %arg7[%select_n3A_117, %dma_wait3A_134, %dma_wait3A_139] : memref<4x1x64xi32, #tpu.memory_space<vmem>> -> memref<1x1x64xi32, #tpu.memory_space<vmem>>
      %dma_wait3A_141 = tpu.memref_squeeze %dma_wait3A_140 : memref<1x1x64xi32, #tpu.memory_space<vmem>> -> memref<64xi32, #tpu.memory_space<vmem>>
      %dma_wait3A_142 = arith.constant 0 : i32
      %dma_wait3A_143 = arith.constant 0 : i32
      %dma_wait3A_144 = tpu.memref_slice %arg2[%dma_wait3A_142, %dma_wait3A_143] : memref<10240x128xf32, #tpu.memory_space<hbm>> -> memref<10240x128xf32, #tpu.memory_space<hbm>>
      tpu.wait_indirect_dma semaphore(%arg11 : memref<!tpu.dma_semaphore, #tpu.memory_space<semaphore_mem>>) src(%dma_wait3A_144 : memref<10240x128xf32, #tpu.memory_space<hbm>>) dst(%dma_wait3A_138 : memref<64x128xf32, #tpu.memory_space<vmem>>)
      %jit3A_145 = arith.constant 2 : i32
      %eq3A_146 = arith.constant 0 : i32
      %eq3A_147 = arith.cmpi eq, %jit3A_145, %eq3A_146 : i32
      %jit3A_148 = arith.constant 1 : i32
      %select_n3A_149 = arith.select %eq3A_147, %jit3A_148, %jit3A_145 : i32
      %rem3A_150 = arith.remsi %while3A_95, %select_n3A_149 : i32
      %ne3A_151 = arith.constant 0 : i32
      %ne3A_152 = arith.cmpi ne, %rem3A_150, %ne3A_151 : i32
      %lt3A_153 = arith.constant 0 : i32
      %lt3A_154 = arith.cmpi slt, %rem3A_150, %lt3A_153 : i32
      %lt3A_155 = arith.constant 0 : i32
      %lt3A_156 = arith.cmpi slt, %select_n3A_149, %lt3A_155 : i32
      %ne3A_157 = arith.xori %lt3A_154, %lt3A_156 : i1
      %and3A_158 = arith.andi %ne3A_157, %ne3A_152 : i1
      %add3A_159 = arith.addi %rem3A_150, %select_n3A_149 : i32
      %select_n3A_160 = arith.select %and3A_158, %add3A_159, %rem3A_150 : i32
      "tpu.region"() ({
        %run_scoped3A = tpu.sem_alloc : memref<!tpu.dma_semaphore, #tpu.memory_space<semaphore_mem>>
        %dma_start3A_161 = arith.constant 0 : i32
        %dma_start3A_162 = arith.constant 0 : i32
        %dma_start3A_163 = tpu.memref_slice %arg9[%select_n3A_160, %dma_start3A_161, %dma_start3A_162] : memref<2x64x128xf32, #tpu.memory_space<vmem>> -> memref<1x64x128xf32, #tpu.memory_space<vmem>>
        %dma_start3A_164 = tpu.memref_squeeze %dma_start3A_163 : memref<1x64x128xf32, #tpu.memory_space<vmem>> -> memref<64x128xf32, #tpu.memory_space<vmem>>
        %dma_start3A_165 = arith.constant 0 : i32
        %dma_start3A_166 = tpu.memref_slice %arg8[%while3A_95, %dma_start3A_165] : memref<256x64xi32, #tpu.memory_space<vmem>> -> memref<1x64xi32, #tpu.memory_space<vmem>>
        %dma_start3A_167 = tpu.memref_squeeze %dma_start3A_166 : memref<1x64xi32, #tpu.memory_space<vmem>> -> memref<64xi32, #tpu.memory_space<vmem>>
        %dma_start3A_168 = arith.constant 0 : i32
        %dma_start3A_169 = arith.constant 0 : i32
        %dma_start3A_170 = tpu.memref_slice %arg10[%dma_start3A_168, %dma_start3A_169] : memref<10112x128xf32, #tpu.memory_space<vmem_shared>> -> memref<10112x128xf32, #tpu.memory_space<vmem_shared>>
        tpu.enqueue_indirect_dma source(%dma_start3A_164 : memref<64x128xf32, #tpu.memory_space<vmem>>) target(%dma_start3A_170 : memref<10112x128xf32, #tpu.memory_space<vmem_shared>>) offsets(%dma_start3A_167 : memref<64xi32, #tpu.memory_space<vmem>>) semaphore(%run_scoped3A : memref<!tpu.dma_semaphore, #tpu.memory_space<semaphore_mem>>) {add = true}
        %dma_wait3A_171 = arith.constant 0 : i32
        %dma_wait3A_172 = arith.constant 0 : i32
        %dma_wait3A_173 = tpu.memref_slice %arg9[%select_n3A_160, %dma_wait3A_171, %dma_wait3A_172] : memref<2x64x128xf32, #tpu.memory_space<vmem>> -> memref<1x64x128xf32, #tpu.memory_space<vmem>>
        %dma_wait3A_174 = tpu.memref_squeeze %dma_wait3A_173 : memref<1x64x128xf32, #tpu.memory_space<vmem>> -> memref<64x128xf32, #tpu.memory_space<vmem>>
        %dma_wait3A_175 = arith.constant 0 : i32
        %dma_wait3A_176 = tpu.memref_slice %arg8[%while3A_95, %dma_wait3A_175] : memref<256x64xi32, #tpu.memory_space<vmem>> -> memref<1x64xi32, #tpu.memory_space<vmem>>
        %dma_wait3A_177 = tpu.memref_squeeze %dma_wait3A_176 : memref<1x64xi32, #tpu.memory_space<vmem>> -> memref<64xi32, #tpu.memory_space<vmem>>
        %dma_wait3A_178 = arith.constant 0 : i32
        %dma_wait3A_179 = arith.constant 0 : i32
        %dma_wait3A_180 = tpu.memref_slice %arg10[%dma_wait3A_178, %dma_wait3A_179] : memref<10112x128xf32, #tpu.memory_space<vmem_shared>> -> memref<10112x128xf32, #tpu.memory_space<vmem_shared>>
        tpu.wait_indirect_dma semaphore(%run_scoped3A : memref<!tpu.dma_semaphore, #tpu.memory_space<semaphore_mem>>) src(%dma_wait3A_174 : memref<64x128xf32, #tpu.memory_space<vmem>>) dst(%dma_wait3A_180 : memref<10112x128xf32, #tpu.memory_space<vmem_shared>>)
        tpu.yield
      }) : () -> ()
    }
    %while3A_89 = arith.constant 1 : i32
    scf.for %while3A_95 = %while3A_87 to %while3A_83 step %while3A_89  : i32 {
      %add3A_96 = arith.constant 1 : i32
      %add3A_97 = arith.addi %while3A_95, %add3A_96 : i32
      %lt3A = arith.cmpi slt, %add3A_97, %select_n3A : i32
      %convert_element_type3A = arith.extui %lt3A : i1 to i32
      %cond3A = arith.constant 0 : i32
      %cond3A_98 = arith.cmpi ne, %convert_element_type3A, %cond3A : i32
      scf.if %cond3A_98 {
        %add3A_161 = arith.constant 1 : i32
        %add3A_162 = arith.addi %while3A_95, %add3A_161 : i32
        %add3A_163 = arith.addi %multiple_of3A, %add3A_162 : i32
        %jit3A_164 = arith.constant 4 : i32
        %eq3A_165 = arith.constant 0 : i32
        %eq3A_166 = arith.cmpi eq, %jit3A_164, %eq3A_165 : i32
        %jit3A_167 = arith.constant 1 : i32
        %select_n3A_168 = arith.select %eq3A_166, %jit3A_167, %jit3A_164 : i32
        %rem3A_169 = arith.remsi %add3A_162, %select_n3A_168 : i32
        %ne3A_170 = arith.constant 0 : i32
        %ne3A_171 = arith.cmpi ne, %rem3A_169, %ne3A_170 : i32
        %lt3A_172 = arith.constant 0 : i32
        %lt3A_173 = arith.cmpi slt, %rem3A_169, %lt3A_172 : i32
        %lt3A_174 = arith.constant 0 : i32
        %lt3A_175 = arith.cmpi slt, %select_n3A_168, %lt3A_174 : i32
        %ne3A_176 = arith.xori %lt3A_173, %lt3A_175 : i1
        %and3A_177 = arith.andi %ne3A_176, %ne3A_171 : i1
        %add3A_178 = arith.addi %rem3A_169, %select_n3A_168 : i32
        %select_n3A_179 = arith.select %and3A_177, %add3A_178, %rem3A_169 : i32
        %dma_wait3A_180 = arith.constant 0 : i32
        %dma_wait3A_181 = arith.constant 0 : i32
        %dma_wait3A_182 = tpu.memref_slice %arg7[%select_n3A_179, %dma_wait3A_180, %dma_wait3A_181] : memref<4x1x64xi32, #tpu.memory_space<vmem>> -> memref<1x1x64xi32, #tpu.memory_space<vmem>>
        %dma_wait3A_183 = tpu.memref_squeeze %dma_wait3A_182 : memref<1x1x64xi32, #tpu.memory_space<vmem>> -> memref<1x64xi32, #tpu.memory_space<vmem>>
        %dma_wait3A_184 = arith.constant 0 : i32
        %dma_wait3A_185 = arith.constant 0 : i32
        %dma_wait3A_186 = tpu.memref_slice %arg3[%add3A_163, %dma_wait3A_184, %dma_wait3A_185] : memref<5184x1x64xi32, #tpu.memory_space<hbm>> -> memref<1x1x64xi32, #tpu.memory_space<hbm>>
        %dma_wait3A_187 = tpu.memref_squeeze %dma_wait3A_186 : memref<1x1x64xi32, #tpu.memory_space<hbm>> -> memref<1x64xi32, #tpu.memory_space<hbm>>
        %dma_wait3A_188 = arith.constant 0 : i32
        %dma_wait3A_189 = arith.constant 0 : i32
        %dma_wait3A_190 = tpu.memref_slice %arg7[%select_n3A_179, %dma_wait3A_188, %dma_wait3A_189] : memref<4x1x64xi32, #tpu.memory_space<vmem>> -> memref<1x1x64xi32, #tpu.memory_space<vmem>>
        %dma_wait3A_191 = tpu.memref_squeeze %dma_wait3A_190 : memref<1x1x64xi32, #tpu.memory_space<vmem>> -> memref<1x64xi32, #tpu.memory_space<vmem>>
        %dma_wait3A_192 = arith.constant 0 : i32
        %dma_wait3A_193 = arith.constant 0 : i32
        %dma_wait3A_194 = tpu.memref_slice %arg3[%add3A_163, %dma_wait3A_192, %dma_wait3A_193] : memref<5184x1x64xi32, #tpu.memory_space<hbm>> -> memref<1x1x64xi32, #tpu.memory_space<hbm>>
        %dma_wait3A_195 = tpu.memref_squeeze %dma_wait3A_194 : memref<1x1x64xi32, #tpu.memory_space<hbm>> -> memref<1x64xi32, #tpu.memory_space<hbm>>
        tpu.wait_dma2 semaphore(%arg12 : memref<!tpu.dma_semaphore, #tpu.memory_space<semaphore_mem>>) src(%dma_wait3A_195 : memref<1x64xi32, #tpu.memory_space<hbm>>) dst(%dma_wait3A_191 : memref<1x64xi32, #tpu.memory_space<vmem>>)
        %add3A_196 = arith.constant 1 : i32
        %add3A_197 = arith.addi %while3A_95, %add3A_196 : i32
        %jit3A_198 = arith.constant 4 : i32
        %eq3A_199 = arith.constant 0 : i32
        %eq3A_200 = arith.cmpi eq, %jit3A_198, %eq3A_199 : i32
        %jit3A_201 = arith.constant 1 : i32
        %select_n3A_202 = arith.select %eq3A_200, %jit3A_201, %jit3A_198 : i32
        %rem3A_203 = arith.remsi %add3A_197, %select_n3A_202 : i32
        %ne3A_204 = arith.constant 0 : i32
        %ne3A_205 = arith.cmpi ne, %rem3A_203, %ne3A_204 : i32
        %lt3A_206 = arith.constant 0 : i32
        %lt3A_207 = arith.cmpi slt, %rem3A_203, %lt3A_206 : i32
        %lt3A_208 = arith.constant 0 : i32
        %lt3A_209 = arith.cmpi slt, %select_n3A_202, %lt3A_208 : i32
        %ne3A_210 = arith.xori %lt3A_207, %lt3A_209 : i1
        %and3A_211 = arith.andi %ne3A_210, %ne3A_205 : i1
        %add3A_212 = arith.addi %rem3A_203, %select_n3A_202 : i32
        %select_n3A_213 = arith.select %and3A_211, %add3A_212, %rem3A_203 : i32
        %jit3A_214 = arith.constant 2 : i32
        %eq3A_215 = arith.constant 0 : i32
        %eq3A_216 = arith.cmpi eq, %jit3A_214, %eq3A_215 : i32
        %jit3A_217 = arith.constant 1 : i32
        %select_n3A_218 = arith.select %eq3A_216, %jit3A_217, %jit3A_214 : i32
        %rem3A_219 = arith.remsi %add3A_197, %select_n3A_218 : i32
        %ne3A_220 = arith.constant 0 : i32
        %ne3A_221 = arith.cmpi ne, %rem3A_219, %ne3A_220 : i32
        %lt3A_222 = arith.constant 0 : i32
        %lt3A_223 = arith.cmpi slt, %rem3A_219, %lt3A_222 : i32
        %lt3A_224 = arith.constant 0 : i32
        %lt3A_225 = arith.cmpi slt, %select_n3A_218, %lt3A_224 : i32
        %ne3A_226 = arith.xori %lt3A_223, %lt3A_225 : i1
        %and3A_227 = arith.andi %ne3A_226, %ne3A_221 : i1
        %add3A_228 = arith.addi %rem3A_219, %select_n3A_218 : i32
        %select_n3A_229 = arith.select %and3A_227, %add3A_228, %rem3A_219 : i32
        %dma_start3A_230 = arith.constant 0 : i32
        %dma_start3A_231 = arith.constant 0 : i32
        %dma_start3A_232 = arith.constant 0 : i32
        %dma_start3A_233 = tpu.memref_slice %arg9[%select_n3A_229, %dma_start3A_231, %dma_start3A_232] : memref<2x64x128xf32, #tpu.memory_space<vmem>> -> memref<1x64x128xf32, #tpu.memory_space<vmem>>
        %dma_start3A_234 = tpu.memref_squeeze %dma_start3A_233 : memref<1x64x128xf32, #tpu.memory_space<vmem>> -> memref<64x128xf32, #tpu.memory_space<vmem>>
        %dma_start3A_235 = arith.constant 0 : i32
        %dma_start3A_236 = tpu.memref_slice %arg7[%select_n3A_213, %dma_start3A_230, %dma_start3A_235] : memref<4x1x64xi32, #tpu.memory_space<vmem>> -> memref<1x1x64xi32, #tpu.memory_space<vmem>>
        %dma_start3A_237 = tpu.memref_squeeze %dma_start3A_236 : memref<1x1x64xi32, #tpu.memory_space<vmem>> -> memref<64xi32, #tpu.memory_space<vmem>>
        %dma_start3A_238 = arith.constant 0 : i32
        %dma_start3A_239 = arith.constant 0 : i32
        %dma_start3A_240 = tpu.memref_slice %arg2[%dma_start3A_238, %dma_start3A_239] : memref<10240x128xf32, #tpu.memory_space<hbm>> -> memref<10240x128xf32, #tpu.memory_space<hbm>>
        tpu.enqueue_indirect_dma source(%dma_start3A_240 : memref<10240x128xf32, #tpu.memory_space<hbm>>) target(%dma_start3A_234 : memref<64x128xf32, #tpu.memory_space<vmem>>) offsets(%dma_start3A_237 : memref<64xi32, #tpu.memory_space<vmem>>) semaphore(%arg11 : memref<!tpu.dma_semaphore, #tpu.memory_space<semaphore_mem>>)
      } else {
      }
      %add3A_99 = arith.constant 2 : i32
      %add3A_100 = arith.addi %while3A_95, %add3A_99 : i32
      %lt3A_101 = arith.cmpi slt, %add3A_100, %select_n3A : i32
      %convert_element_type3A_102 = arith.extui %lt3A_101 : i1 to i32
      %cond3A_103 = arith.constant 0 : i32
      %cond3A_104 = arith.cmpi ne, %convert_element_type3A_102, %cond3A_103 : i32
      scf.if %cond3A_104 {
        %add3A_161 = arith.constant 2 : i32
        %add3A_162 = arith.addi %while3A_95, %add3A_161 : i32
        %add3A_163 = arith.addi %multiple_of3A, %add3A_162 : i32
        %jit3A_164 = arith.constant 4 : i32
        %eq3A_165 = arith.constant 0 : i32
        %eq3A_166 = arith.cmpi eq, %jit3A_164, %eq3A_165 : i32
        %jit3A_167 = arith.constant 1 : i32
        %select_n3A_168 = arith.select %eq3A_166, %jit3A_167, %jit3A_164 : i32
        %rem3A_169 = arith.remsi %add3A_162, %select_n3A_168 : i32
        %ne3A_170 = arith.constant 0 : i32
        %ne3A_171 = arith.cmpi ne, %rem3A_169, %ne3A_170 : i32
        %lt3A_172 = arith.constant 0 : i32
        %lt3A_173 = arith.cmpi slt, %rem3A_169, %lt3A_172 : i32
        %lt3A_174 = arith.constant 0 : i32
        %lt3A_175 = arith.cmpi slt, %select_n3A_168, %lt3A_174 : i32
        %ne3A_176 = arith.xori %lt3A_173, %lt3A_175 : i1
        %and3A_177 = arith.andi %ne3A_176, %ne3A_171 : i1
        %add3A_178 = arith.addi %rem3A_169, %select_n3A_168 : i32
        %select_n3A_179 = arith.select %and3A_177, %add3A_178, %rem3A_169 : i32
        %dma_start3A_180 = arith.constant 0 : i32
        %dma_start3A_181 = arith.constant 0 : i32
        %dma_start3A_182 = tpu.memref_slice %arg7[%select_n3A_179, %dma_start3A_180, %dma_start3A_181] : memref<4x1x64xi32, #tpu.memory_space<vmem>> -> memref<1x1x64xi32, #tpu.memory_space<vmem>>
        %dma_start3A_183 = tpu.memref_squeeze %dma_start3A_182 : memref<1x1x64xi32, #tpu.memory_space<vmem>> -> memref<1x64xi32, #tpu.memory_space<vmem>>
        %dma_start3A_184 = arith.constant 0 : i32
        %dma_start3A_185 = arith.constant 0 : i32
        %dma_start3A_186 = tpu.memref_slice %arg3[%add3A_163, %dma_start3A_184, %dma_start3A_185] : memref<5184x1x64xi32, #tpu.memory_space<hbm>> -> memref<1x1x64xi32, #tpu.memory_space<hbm>>
        %dma_start3A_187 = tpu.memref_squeeze %dma_start3A_186 : memref<1x1x64xi32, #tpu.memory_space<hbm>> -> memref<1x64xi32, #tpu.memory_space<hbm>>
        %dma_start3A_188 = arith.constant 0 : i32
        %dma_start3A_189 = arith.constant 0 : i32
        %dma_start3A_190 = tpu.memref_slice %arg7[%select_n3A_179, %dma_start3A_188, %dma_start3A_189] : memref<4x1x64xi32, #tpu.memory_space<vmem>> -> memref<1x1x64xi32, #tpu.memory_space<vmem>>
        %dma_start3A_191 = tpu.memref_squeeze %dma_start3A_190 : memref<1x1x64xi32, #tpu.memory_space<vmem>> -> memref<1x64xi32, #tpu.memory_space<vmem>>
        %dma_start3A_192 = arith.constant 0 : i32
        %dma_start3A_193 = arith.constant 0 : i32
        %dma_start3A_194 = tpu.memref_slice %arg3[%add3A_163, %dma_start3A_192, %dma_start3A_193] : memref<5184x1x64xi32, #tpu.memory_space<hbm>> -> memref<1x1x64xi32, #tpu.memory_space<hbm>>
        %dma_start3A_195 = tpu.memref_squeeze %dma_start3A_194 : memref<1x1x64xi32, #tpu.memory_space<hbm>> -> memref<1x64xi32, #tpu.memory_space<hbm>>
        tpu.enqueue_dma source(%dma_start3A_195 : memref<1x64xi32, #tpu.memory_space<hbm>>) target(%dma_start3A_191 : memref<1x64xi32, #tpu.memory_space<vmem>>) target_semaphore(%arg12 : memref<!tpu.dma_semaphore, #tpu.memory_space<semaphore_mem>>)
      } else {
      }
      %jit3A_105 = arith.constant 4 : i32
      %eq3A_106 = arith.constant 0 : i32
      %eq3A_107 = arith.cmpi eq, %jit3A_105, %eq3A_106 : i32
      %jit3A_108 = arith.constant 1 : i32
      %select_n3A_109 = arith.select %eq3A_107, %jit3A_108, %jit3A_105 : i32
      %rem3A = arith.remsi %while3A_95, %select_n3A_109 : i32
      %ne3A = arith.constant 0 : i32
      %ne3A_110 = arith.cmpi ne, %rem3A, %ne3A : i32
      %lt3A_111 = arith.constant 0 : i32
      %lt3A_112 = arith.cmpi slt, %rem3A, %lt3A_111 : i32
      %lt3A_113 = arith.constant 0 : i32
      %lt3A_114 = arith.cmpi slt, %select_n3A_109, %lt3A_113 : i32
      %ne3A_115 = arith.xori %lt3A_112, %lt3A_114 : i1
      %and3A = arith.andi %ne3A_115, %ne3A_110 : i1
      %add3A_116 = arith.addi %rem3A, %select_n3A_109 : i32
      %select_n3A_117 = arith.select %and3A, %add3A_116, %rem3A : i32
      %jit3A_118 = arith.constant 2 : i32
      %eq3A_119 = arith.constant 0 : i32
      %eq3A_120 = arith.cmpi eq, %jit3A_118, %eq3A_119 : i32
      %jit3A_121 = arith.constant 1 : i32
      %select_n3A_122 = arith.select %eq3A_120, %jit3A_121, %jit3A_118 : i32
      %rem3A_123 = arith.remsi %while3A_95, %select_n3A_122 : i32
      %ne3A_124 = arith.constant 0 : i32
      %ne3A_125 = arith.cmpi ne, %rem3A_123, %ne3A_124 : i32
      %lt3A_126 = arith.constant 0 : i32
      %lt3A_127 = arith.cmpi slt, %rem3A_123, %lt3A_126 : i32
      %lt3A_128 = arith.constant 0 : i32
      %lt3A_129 = arith.cmpi slt, %select_n3A_122, %lt3A_128 : i32
      %ne3A_130 = arith.xori %lt3A_127, %lt3A_129 : i1
      %and3A_131 = arith.andi %ne3A_130, %ne3A_125 : i1
      %add3A_132 = arith.addi %rem3A_123, %select_n3A_122 : i32
      %select_n3A_133 = arith.select %and3A_131, %add3A_132, %rem3A_123 : i32
      %dma_wait3A_134 = arith.constant 0 : i32
      %dma_wait3A_135 = arith.constant 0 : i32
      %dma_wait3A_136 = arith.constant 0 : i32
      %dma_wait3A_137 = tpu.memref_slice %arg9[%select_n3A_133, %dma_wait3A_135, %dma_wait3A_136] : memref<2x64x128xf32, #tpu.memory_space<vmem>> -> memref<1x64x128xf32, #tpu.memory_space<vmem>>
      %dma_wait3A_138 = tpu.memref_squeeze %dma_wait3A_137 : memref<1x64x128xf32, #tpu.memory_space<vmem>> -> memref<64x128xf32, #tpu.memory_space<vmem>>
      %dma_wait3A_139 = arith.constant 0 : i32
      %dma_wait3A_140 = tpu.memref_slice %arg7[%select_n3A_117, %dma_wait3A_134, %dma_wait3A_139] : memref<4x1x64xi32, #tpu.memory_space<vmem>> -> memref<1x1x64xi32, #tpu.memory_space<vmem>>
      %dma_wait3A_141 = tpu.memref_squeeze %dma_wait3A_140 : memref<1x1x64xi32, #tpu.memory_space<vmem>> -> memref<64xi32, #tpu.memory_space<vmem>>
      %dma_wait3A_142 = arith.constant 0 : i32
      %dma_wait3A_143 = arith.constant 0 : i32
      %dma_wait3A_144 = tpu.memref_slice %arg2[%dma_wait3A_142, %dma_wait3A_143] : memref<10240x128xf32, #tpu.memory_space<hbm>> -> memref<10240x128xf32, #tpu.memory_space<hbm>>
      tpu.wait_indirect_dma semaphore(%arg11 : memref<!tpu.dma_semaphore, #tpu.memory_space<semaphore_mem>>) src(%dma_wait3A_144 : memref<10240x128xf32, #tpu.memory_space<hbm>>) dst(%dma_wait3A_138 : memref<64x128xf32, #tpu.memory_space<vmem>>)
      %jit3A_145 = arith.constant 2 : i32
      %eq3A_146 = arith.constant 0 : i32
      %eq3A_147 = arith.cmpi eq, %jit3A_145, %eq3A_146 : i32
      %jit3A_148 = arith.constant 1 : i32
      %select_n3A_149 = arith.select %eq3A_147, %jit3A_148, %jit3A_145 : i32
      %rem3A_150 = arith.remsi %while3A_95, %select_n3A_149 : i32
      %ne3A_151 = arith.constant 0 : i32
      %ne3A_152 = arith.cmpi ne, %rem3A_150, %ne3A_151 : i32
      %lt3A_153 = arith.constant 0 : i32
      %lt3A_154 = arith.cmpi slt, %rem3A_150, %lt3A_153 : i32
      %lt3A_155 = arith.constant 0 : i32
      %lt3A_156 = arith.cmpi slt, %select_n3A_149, %lt3A_155 : i32
      %ne3A_157 = arith.xori %lt3A_154, %lt3A_156 : i1
      %and3A_158 = arith.andi %ne3A_157, %ne3A_152 : i1
      %add3A_159 = arith.addi %rem3A_150, %select_n3A_149 : i32
      %select_n3A_160 = arith.select %and3A_158, %add3A_159, %rem3A_150 : i32
      "tpu.region"() ({
        %run_scoped3A = tpu.sem_alloc : memref<!tpu.dma_semaphore, #tpu.memory_space<semaphore_mem>>
        %dma_start3A_161 = arith.constant 0 : i32
        %dma_start3A_162 = arith.constant 0 : i32
        %dma_start3A_163 = tpu.memref_slice %arg9[%select_n3A_160, %dma_start3A_161, %dma_start3A_162] : memref<2x64x128xf32, #tpu.memory_space<vmem>> -> memref<1x64x128xf32, #tpu.memory_space<vmem>>
        %dma_start3A_164 = tpu.memref_squeeze %dma_start3A_163 : memref<1x64x128xf32, #tpu.memory_space<vmem>> -> memref<64x128xf32, #tpu.memory_space<vmem>>
        %dma_start3A_165 = arith.constant 0 : i32
        %dma_start3A_166 = tpu.memref_slice %arg8[%while3A_95, %dma_start3A_165] : memref<256x64xi32, #tpu.memory_space<vmem>> -> memref<1x64xi32, #tpu.memory_space<vmem>>
        %dma_start3A_167 = tpu.memref_squeeze %dma_start3A_166 : memref<1x64xi32, #tpu.memory_space<vmem>> -> memref<64xi32, #tpu.memory_space<vmem>>
        %dma_start3A_168 = arith.constant 0 : i32
        %dma_start3A_169 = arith.constant 0 : i32
        %dma_start3A_170 = tpu.memref_slice %arg10[%dma_start3A_168, %dma_start3A_169] : memref<10112x128xf32, #tpu.memory_space<vmem_shared>> -> memref<10112x128xf32, #tpu.memory_space<vmem_shared>>
        tpu.enqueue_indirect_dma source(%dma_start3A_164 : memref<64x128xf32, #tpu.memory_space<vmem>>) target(%dma_start3A_170 : memref<10112x128xf32, #tpu.memory_space<vmem_shared>>) offsets(%dma_start3A_167 : memref<64xi32, #tpu.memory_space<vmem>>) semaphore(%run_scoped3A : memref<!tpu.dma_semaphore, #tpu.memory_space<semaphore_mem>>) {add = true}
        %dma_wait3A_171 = arith.constant 0 : i32
        %dma_wait3A_172 = arith.constant 0 : i32
        %dma_wait3A_173 = tpu.memref_slice %arg9[%select_n3A_160, %dma_wait3A_171, %dma_wait3A_172] : memref<2x64x128xf32, #tpu.memory_space<vmem>> -> memref<1x64x128xf32, #tpu.memory_space<vmem>>
        %dma_wait3A_174 = tpu.memref_squeeze %dma_wait3A_173 : memref<1x64x128xf32, #tpu.memory_space<vmem>> -> memref<64x128xf32, #tpu.memory_space<vmem>>
        %dma_wait3A_175 = arith.constant 0 : i32
        %dma_wait3A_176 = tpu.memref_slice %arg8[%while3A_95, %dma_wait3A_175] : memref<256x64xi32, #tpu.memory_space<vmem>> -> memref<1x64xi32, #tpu.memory_space<vmem>>
        %dma_wait3A_177 = tpu.memref_squeeze %dma_wait3A_176 : memref<1x64xi32, #tpu.memory_space<vmem>> -> memref<64xi32, #tpu.memory_space<vmem>>
        %dma_wait3A_178 = arith.constant 0 : i32
        %dma_wait3A_179 = arith.constant 0 : i32
        %dma_wait3A_180 = tpu.memref_slice %arg10[%dma_wait3A_178, %dma_wait3A_179] : memref<10112x128xf32, #tpu.memory_space<vmem_shared>> -> memref<10112x128xf32, #tpu.memory_space<vmem_shared>>
        tpu.wait_indirect_dma semaphore(%run_scoped3A : memref<!tpu.dma_semaphore, #tpu.memory_space<semaphore_mem>>) src(%dma_wait3A_174 : memref<64x128xf32, #tpu.memory_space<vmem>>) dst(%dma_wait3A_180 : memref<10112x128xf32, #tpu.memory_space<vmem_shared>>)
        tpu.yield
      }) : () -> ()
    }
    %barrier3A_90 = arith.constant 0 : index
    tpu.barrier barrier_id(%barrier3A_90)
    %mul3A_91 = arith.constant 632 : i32
    %mul3A_92 = arith.muli %arg1, %mul3A_91 : i32
    %mul3A_93 = arith.constant 632 : i32
    %mul3A_94 = arith.muli %arg1, %mul3A_93 : i32
    "tpu.region"() ({
      %run_scoped3A = tpu.sem_alloc : memref<!tpu.dma_semaphore, #tpu.memory_space<semaphore_mem>>
      %dma_start3A_95 = arith.constant 0 : i32
      %dma_start3A_96 = tpu.memref_slice %arg6[%arg0, %mul3A_94, %dma_start3A_95] : memref<2x10240x128xf32, #tpu.memory_space<hbm>> -> memref<1x632x128xf32, #tpu.memory_space<hbm>>
      %dma_start3A_97 = tpu.memref_squeeze %dma_start3A_96 : memref<1x632x128xf32, #tpu.memory_space<hbm>> -> memref<632x128xf32, #tpu.memory_space<hbm>>
      %dma_start3A_98 = arith.constant 0 : i32
      %dma_start3A_99 = tpu.memref_slice %arg10[%mul3A_92, %dma_start3A_98] : memref<10112x128xf32, #tpu.memory_space<vmem_shared>> -> memref<632x128xf32, #tpu.memory_space<vmem_shared>>
      tpu.enqueue_dma source(%dma_start3A_99 : memref<632x128xf32, #tpu.memory_space<vmem_shared>>) target(%dma_start3A_97 : memref<632x128xf32, #tpu.memory_space<hbm>>) target_semaphore(%run_scoped3A : memref<!tpu.dma_semaphore, #tpu.memory_space<semaphore_mem>>)
      %dma_wait3A_100 = arith.constant 0 : i32
      %dma_wait3A_101 = tpu.memref_slice %arg6[%arg0, %mul3A_94, %dma_wait3A_100] : memref<2x10240x128xf32, #tpu.memory_space<hbm>> -> memref<1x632x128xf32, #tpu.memory_space<hbm>>
      %dma_wait3A_102 = tpu.memref_squeeze %dma_wait3A_101 : memref<1x632x128xf32, #tpu.memory_space<hbm>> -> memref<632x128xf32, #tpu.memory_space<hbm>>
      %dma_wait3A_103 = arith.constant 0 : i32
      %dma_wait3A_104 = tpu.memref_slice %arg10[%mul3A_92, %dma_wait3A_103] : memref<10112x128xf32, #tpu.memory_space<vmem_shared>> -> memref<632x128xf32, #tpu.memory_space<vmem_shared>>
      tpu.wait_dma2 semaphore(%run_scoped3A : memref<!tpu.dma_semaphore, #tpu.memory_space<semaphore_mem>>) src(%dma_wait3A_104 : memref<632x128xf32, #tpu.memory_space<vmem_shared>>) dst(%dma_wait3A_102 : memref<632x128xf32, #tpu.memory_space<hbm>>)
      tpu.yield
    }) : () -> ()
    return
  }
}

module attributes {stable_mosaic.version = 14 : i64} {
  func.func @_mm_body(%arg0: i32, %arg1: memref<1024x128xf32, #tpu.memory_space<vmem>>, %arg2: memref<128x128xf32, #tpu.memory_space<vmem>>, %arg3: memref<2x1024x1xf32, #tpu.memory_space<vmem>>, %arg4: memref<1024x128xf32, #tpu.memory_space<vmem>>, %arg5: memref<1024x1xf32, #tpu.memory_space<vmem>>) attributes {dimension_semantics = [#tpu.dimension_semantics<arbitrary>], iteration_bounds = array<i64: 10>, scalar_prefetch = 0 : i64, scratch_operands = 0 : i64, tpu.core_type = #tpu.core_type<tc>, window_params = [{transform_indices = @transform_0, window_bounds = array<i64: 1024, 128>}, {pipeline_mode = #tpu.pipeline_mode<synchronous>, transform_indices = @transform_1, window_bounds = array<i64: 128, 128>}, {transform_indices = @transform_2, window_bounds = array<i64: 2, 1024, 1>}, {transform_indices = @transform_3, window_bounds = array<i64: 1024, 128>}, {transform_indices = @transform_4, window_bounds = array<i64: 1024, 1>}]} {
    %get3A = arith.constant 0 : index
    %get3A_0 = arith.constant 0 : index
    %get3A_1 = arith.constant 0 : index
    %get3A_2 = vector.load %arg3[%get3A, %get3A_0, %get3A_1] : memref<2x1024x1xf32, #tpu.memory_space<vmem>>, vector<1x1024x1xf32>
    %get3A_3 = vector.shape_cast %get3A_2 : vector<1x1024x1xf32> to vector<1024x1xf32>
    %get3A_4 = arith.constant 1 : index
    %get3A_5 = arith.constant 0 : index
    %get3A_6 = arith.constant 0 : index
    %get3A_7 = vector.load %arg3[%get3A_4, %get3A_5, %get3A_6] : memref<2x1024x1xf32, #tpu.memory_space<vmem>>, vector<1x1024x1xf32>
    %get3A_8 = vector.shape_cast %get3A_7 : vector<1x1024x1xf32> to vector<1024x1xf32>
    %add3A = arith.addf %get3A_3, %get3A_8 : vector<1024x1xf32>
    %add3A_9 = arith.constant 1.000000e+00 : f32
    %add3A_10 = vector.broadcast %add3A_9 : f32 to vector<1024x1xf32>
    %add3A_11 = arith.addf %add3A, %add3A_10 : vector<1024x1xf32>
    %rsqrt3A = math.rsqrt %add3A_11 : vector<1024x1xf32>
    %get3A_12 = arith.constant 0 : index
    %get3A_13 = arith.constant 0 : index
    %get3A_14 = vector.load %arg1[%get3A_12, %get3A_13] : memref<1024x128xf32, #tpu.memory_space<vmem>>, vector<1024x128xf32>
    %get3A_15 = arith.constant 0 : index
    %get3A_16 = arith.constant 0 : index
    %get3A_17 = vector.load %arg2[%get3A_15, %get3A_16] : memref<128x128xf32, #tpu.memory_space<vmem>>, vector<128x128xf32>
    %dot_general3A = arith.constant dense<0.000000e+00> : vector<1024x128xf32>
    %dot_general3A_18 = tpu.matmul %get3A_14, %get3A_17, %dot_general3A {dimension_numbers = #tpu.dot_dimension_numbers<[1], [0], [0], [1], [0, 0, 1, 1], [], []>, transpose_lhs_hint = false} : vector<1024x128xf32>, vector<128x128xf32>, vector<1024x128xf32> -> vector<1024x128xf32>
    %mul3A = vector.broadcast %rsqrt3A : vector<1024x1xf32> to vector<1024x128xf32>
    %mul3A_19 = arith.mulf %mul3A, %dot_general3A_18 : vector<1024x128xf32>
    %swap3A = arith.constant 0 : index
    %swap3A_20 = arith.constant 0 : index
    %swap3A_21 = vector.load %arg4[%swap3A, %swap3A_20] : memref<1024x128xf32, #tpu.memory_space<vmem>>, vector<1024x128xf32>
    tpu.vector_store %arg4[%swap3A, %swap3A_20], %mul3A_19 {strides = array<i32>} : memref<1024x128xf32, #tpu.memory_space<vmem>>, vector<1024x128xf32>,
    %swap3A_22 = arith.constant 0 : index
    %swap3A_23 = arith.constant 0 : index
    %swap3A_24 = vector.load %arg5[%swap3A_22, %swap3A_23] : memref<1024x1xf32, #tpu.memory_space<vmem>>, vector<1024x1xf32>
    tpu.vector_store %arg5[%swap3A_22, %swap3A_23], %rsqrt3A {strides = array<i32>} : memref<1024x1xf32, #tpu.memory_space<vmem>>, vector<1024x1xf32>,
    return
  }
  func.func @transform_0(%arg0: i32) -> (i32, i32) {
    %c0_i32 = arith.constant 0 : i32
    %c0_i32_0 = arith.constant 0 : i32
    return %arg0, %c0_i32 : i32, i32
  }
  func.func @transform_1(%arg0: i32) -> (i32, i32) {
    %c0_i32 = arith.constant 0 : i32
    %c0_i32_0 = arith.constant 0 : i32
    %c0_i32_1 = arith.constant 0 : i32
    return %c0_i32, %c0_i32_0 : i32, i32
  }
  func.func @transform_2(%arg0: i32) -> (i32, i32, i32) {
    %c0_i32 = arith.constant 0 : i32
    %c0_i32_0 = arith.constant 0 : i32
    %c0_i32_1 = arith.constant 0 : i32
    return %c0_i32, %arg0, %c0_i32_0 : i32, i32, i32
  }
  func.func @transform_3(%arg0: i32) -> (i32, i32) {
    %c0_i32 = arith.constant 0 : i32
    %c0_i32_0 = arith.constant 0 : i32
    return %arg0, %c0_i32 : i32, i32
  }
  func.func @transform_4(%arg0: i32) -> (i32, i32) {
    %c0_i32 = arith.constant 0 : i32
    %c0_i32_0 = arith.constant 0 : i32
    return %arg0, %c0_i32 : i32, i32
  }
}

module attributes {stable_mosaic.version = 14 : i64} {
  func.func @_fin_body(%arg0: i32, %arg1: memref<2x1024x128xf32, #tpu.memory_space<vmem>>, %arg2: memref<1024x128xf32, #tpu.memory_space<vmem>>, %arg3: memref<1024x1xf32, #tpu.memory_space<vmem>>, %arg4: memref<1x128xf32, #tpu.memory_space<vmem>>, %arg5: memref<1024x128xf32, #tpu.memory_space<vmem>>) attributes {dimension_semantics = [#tpu.dimension_semantics<arbitrary>], iteration_bounds = array<i64: 10>, scalar_prefetch = 0 : i64, scratch_operands = 0 : i64, tpu.core_type = #tpu.core_type<tc>, window_params = [{transform_indices = @transform_0, window_bounds = array<i64: 2, 1024, 128>}, {transform_indices = @transform_1, window_bounds = array<i64: 1024, 128>}, {transform_indices = @transform_2, window_bounds = array<i64: 1024, 1>}, {pipeline_mode = #tpu.pipeline_mode<synchronous>, transform_indices = @transform_3, window_bounds = array<i64: 1, 128>}, {transform_indices = @transform_4, window_bounds = array<i64: 1024, 128>}]} {
    %get3A = arith.constant 0 : index
    %get3A_0 = arith.constant 0 : index
    %get3A_1 = arith.constant 0 : index
    %get3A_2 = vector.load %arg1[%get3A, %get3A_0, %get3A_1] : memref<2x1024x128xf32, #tpu.memory_space<vmem>>, vector<1x1024x128xf32>
    %get3A_3 = vector.shape_cast %get3A_2 : vector<1x1024x128xf32> to vector<1024x128xf32>
    %get3A_4 = arith.constant 1 : index
    %get3A_5 = arith.constant 0 : index
    %get3A_6 = arith.constant 0 : index
    %get3A_7 = vector.load %arg1[%get3A_4, %get3A_5, %get3A_6] : memref<2x1024x128xf32, #tpu.memory_space<vmem>>, vector<1x1024x128xf32>
    %get3A_8 = vector.shape_cast %get3A_7 : vector<1x1024x128xf32> to vector<1024x128xf32>
    %add3A = arith.addf %get3A_3, %get3A_8 : vector<1024x128xf32>
    %get3A_9 = arith.constant 0 : index
    %get3A_10 = arith.constant 0 : index
    %get3A_11 = vector.load %arg2[%get3A_9, %get3A_10] : memref<1024x128xf32, #tpu.memory_space<vmem>>, vector<1024x128xf32>
    %add3A_12 = arith.addf %add3A, %get3A_11 : vector<1024x128xf32>
    %get3A_13 = arith.constant 0 : index
    %get3A_14 = arith.constant 0 : index
    %get3A_15 = vector.load %arg3[%get3A_13, %get3A_14] : memref<1024x1xf32, #tpu.memory_space<vmem>>, vector<1024x1xf32>
    %mul3A = vector.broadcast %get3A_15 : vector<1024x1xf32> to vector<1024x128xf32>
    %mul3A_16 = arith.mulf %mul3A, %add3A_12 : vector<1024x128xf32>
    %get3A_17 = arith.constant 0 : index
    %get3A_18 = arith.constant 0 : index
    %get3A_19 = vector.load %arg4[%get3A_17, %get3A_18] : memref<1x128xf32, #tpu.memory_space<vmem>>, vector<1x128xf32>
    %add3A_20 = vector.broadcast %get3A_19 : vector<1x128xf32> to vector<1024x128xf32>
    %add3A_21 = arith.addf %mul3A_16, %add3A_20 : vector<1024x128xf32>
    %max3A = arith.constant 0.000000e+00 : f32
    %max3A_22 = vector.broadcast %max3A : f32 to vector<1024x128xf32>
    %max3A_23 = arith.maximumf %add3A_21, %max3A_22 : vector<1024x128xf32>
    %swap3A = arith.constant 0 : index
    %swap3A_24 = arith.constant 0 : index
    %swap3A_25 = vector.load %arg5[%swap3A, %swap3A_24] : memref<1024x128xf32, #tpu.memory_space<vmem>>, vector<1024x128xf32>
    tpu.vector_store %arg5[%swap3A, %swap3A_24], %max3A_23 {strides = array<i32>} : memref<1024x128xf32, #tpu.memory_space<vmem>>, vector<1024x128xf32>,
    return
  }
  func.func @transform_0(%arg0: i32) -> (i32, i32, i32) {
    %c0_i32 = arith.constant 0 : i32
    %c0_i32_0 = arith.constant 0 : i32
    %c0_i32_1 = arith.constant 0 : i32
    return %c0_i32, %arg0, %c0_i32_0 : i32, i32, i32
  }
  func.func @transform_1(%arg0: i32) -> (i32, i32) {
    %c0_i32 = arith.constant 0 : i32
    %c0_i32_0 = arith.constant 0 : i32
    return %arg0, %c0_i32 : i32, i32
  }
  func.func @transform_2(%arg0: i32) -> (i32, i32) {
    %c0_i32 = arith.constant 0 : i32
    %c0_i32_0 = arith.constant 0 : i32
    return %arg0, %c0_i32 : i32, i32
  }
  func.func @transform_3(%arg0: i32) -> (i32, i32) {
    %c0_i32 = arith.constant 0 : i32
    %c0_i32_0 = arith.constant 0 : i32
    %c0_i32_1 = arith.constant 0 : i32
    return %c0_i32, %c0_i32_0 : i32, i32
  }
  func.func @transform_4(%arg0: i32) -> (i32, i32) {
    %c0_i32 = arith.constant 0 : i32
    %c0_i32_0 = arith.constant 0 : i32
    return %arg0, %c0_i32 : i32, i32
  }
}

</mosaic_0001>

<sc_bundles>
// kernel: kernel.6.cloned.1.call-start
scs
__scs_entry_jumppad:
0x0: {  	(pc) =	sbr.rel $0x88, $3  }
0x1: {  	(tag) =	ssettag $0x0;
	lr =	simm.s32 $0x1  }
0x2: {  	[smem:$0x3F9D] =	sst lr;
	_ =	strace $0xD0000000  }
0x3: {  	_ = 	snop  }
0x4: {  	_ = 	snop  }
0x5: {  	_ = 	snop  }
0x6: {  	_ = 	snop  }
0x7: {  	_ = 	snop  }
__scs_overlays_trampoline_lowered:
0x8: {  	[smem:$0x3FAC] =	sst s0  }
0x9: {  	[smem:$0x3FAD] =	sst s1  }
0xa: {  	[smem:$0x3FAE] =	sst s2  }
0xb: {  	[smem:$0x3FAF] =	sst s3  }
0xc: {  	[smem:$0x3FB0] =	sst s4  }
0xd: {  	[smem:$0x3FB1] =	sst s5  }
0xe: {  	[smem:$0x3FB2] =	sst s6  }
0xf: {  	[smem:$0x3FB3] =	sst s7  }
0x10: {  	[smem:$0x3FB4] =	sst s8  }
0x11: {  	[smem:$0x3FB5] =	sst s9;
	s0 =	simm.s32 @!p0 $0x0  }
0x12: {  	s1 =	sld [smem:$0x3F9B];
	s0 =	simm.s32 @p0 $0x1  }
0x13: {  	[smem:$0x3FB6] =	sst s0;
	s0 =	simm.s32 @!p1 $0x0  }
0x14: {  	s2 =	sld [smem:$0x3F9A];
	s0 =	simm.s32 @p1 $0x1  }
0x15: {  	[smem:$0x3FB7] =	sst s0;
	s0 =	simm.s32 @!p2 $0x0  }
0x16: {  	s3 =	sld [smem:$0x3FDB];
	s0 =	simm.s32 @p2 $0x1  }
0x17: {  	s4 =	simm.s32 $0x1BF5;
	[smem:$0x3FB9] =	sst s0  }
0x18: {  	s0 =	sld [smem:$0x3F9C];
	_ =	swait.ge [sflag:s4], $0x0  }
0x19: {  	s7 =	sld [smem:$0x3F9D]  }
0x1a: {  	s8 =	sadd.s32 $0xFFFFE003, lr  }
0x1b: {  	s9 =	sadd.s32 $0xFFFFFEF7, lr;
	s5 =	simm.s32 $0xFFFFFFFF;
	p2 =	slt.u32 s8, $0xFFFFF086  }
0x1c: {  	p1 =	slt.u32 s9, $0xF7A;
	s5 =	simm.s32 @!p2 $0x0  }
0x1d: {  	s5 =	simm.s32 @p1 $0x1;
	p0 =	seq.s32 s7, s2  }
0x1e: {  	s7 =	smul.u32 @!p0 $0xF7A, s2;
	p2 =	seq.s32 @!p0 s5, $0x0  }
0x1f: {  	s9 =	smul.u32 $0xF7A, s1;
	s8 =	simm.s32 @!p0 $0x1BF5;
	p2 =	por !p2, p0  }
0x20: {  	[sflag:s8] =	ssyncset.s32 @!p0 $0xFFFFF086;
	s6 =	sadd.s32 @!p0 s3, s7;
	s7 =	simm.s32 @!p0 $0x108  }
0x21: {  	s3 =	sadd.s32 s3, s9;
	s6 =	sadd.s32 @!p0 $0x88, s6;
	s7 =	simm.s32 @p2 $0x1082  }
0x22: {  	[simem:s7], [sflag:s8] =	dma.local @!p0 [hbm:s6], $0xF7A  }
0x23: {  	s9 =	sor.u32 $0xD0000000, s2;
	s6 =	simm.s32 $0x108;
	_ =	swait.ge @!p0 [sflag:s8], $0x0  }
0x24: {  	s3 =	sadd.s32 $0x88, s3;
	s6 =	simm.s32 @!p1 $0x1082;
	[sflag:s4] =	ssyncset.s32 $0xFFFFF086  }
0x25: {  	[simem:s6], [sflag:s4] =	dma.local [hbm:s3], $0xF7A  }
0x26: {  	[smem:$0x3F9D] =	sst s1;
	(tag) =	ssettag s2;
	_ =	strace s9  }
0x27: {  	s1 =	sld [smem:$0x3FAD]  }
0x28: {  	s2 =	sld [smem:$0x3FAE]  }
0x29: {  	s4 =	sld [smem:$0x3FB0]  }
0x2a: {  	p0 =	seq.s32 s5, $0x0;
	s5 =	sld [smem:$0x3FB1]  }
0x2b: {  	s6 =	sld [smem:$0x3FB2]  }
0x2c: {  	s7 =	sld [smem:$0x3FB3]  }
0x2d: {  	s3 =	simm.s32 $0x108;
	s8 =	sld [smem:$0x3FB4]  }
0x2e: {  	s3 =	simm.s32 @!p0 $0x1082;
	s9 =	sld [smem:$0x3FB5]  }
0x2f: {  	lr =	sadd.s32 s0, s3;
	s0 =	sld [smem:$0x3FAC]  }
0x30: {  	s3 =	sld [smem:$0x3FAF]  }
0x31: {  	[smem:$0x3FB8] =	sst s10  }
0x32: {  	s10 =	sld [smem:$0x3FB6];
	_ =	sdelay $0x3  }
0x33: {  	p0 =	seq.s32 s10, $0x1;
	s10 =	sld [smem:$0x3FB8];
	_ =	sdelay $0x3  }
0x34: {  	[smem:$0x3FB8] =	sst s10  }
0x35: {  	s10 =	sld [smem:$0x3FB7];
	_ =	sdelay $0x3  }
0x36: {  	p1 =	seq.s32 s10, $0x1;
	s10 =	sld [smem:$0x3FB8];
	_ =	sdelay $0x3  }
0x37: {  	[smem:$0x3FB8] =	sst s10  }
0x38: {  	s10 =	sld [smem:$0x3FB9]  }
0x39: {  	_ = 	snop;
	(pc) =	sbr.ind lr, $3  }
0x3a: {  	_ = 	snop  }
0x3b: {  	_ = 	snop  }
0x3c: {  	p2 =	seq.s32 s10, $0x1;
	s10 =	sld [smem:$0x3FB8]  }
0x3d: {  	_ =	shalt  }
0x3e: {  	_ =	shalt  }
0x3f: {  	_ =	shalt  }
0x40: {  	_ =	shalt  }
0x41: {  	_ =	shalt  }
0x42: {  	_ =	shalt  }
0x43: {  	_ =	shalt  }
0x44: {  	_ =	shalt  }
0x45: {  	_ =	shalt  }
0x46: {  	_ =	shalt  }
0x47: {  	_ =	shalt  }
0x48: {  	_ =	shalt  }
0x49: {  	_ =	shalt  }
0x4a: {  	_ =	shalt  }
0x4b: {  	_ =	shalt  }
0x4c: {  	_ =	shalt  }
0x4d: {  	_ =	shalt  }
0x4e: {  	_ =	shalt  }
0x4f: {  	_ =	shalt  }
0x50: {  	_ =	shalt  }
0x51: {  	_ =	shalt  }
0x52: {  	_ =	shalt  }
0x53: {  	_ =	shalt  }
0x54: {  	_ =	shalt  }
0x55: {  	_ =	shalt  }
0x56: {  	_ =	shalt  }
0x57: {  	_ =	shalt  }
0x58: {  	_ =	shalt  }
0x59: {  	_ =	shalt  }
0x5a: {  	_ =	shalt  }
0x5b: {  	_ =	shalt  }
0x5c: {  	_ =	shalt  }
0x5d: {  	_ =	shalt  }
0x5e: {  	_ =	shalt  }
0x5f: {  	_ =	shalt  }
0x60: {  	_ =	shalt  }
0x61: {  	_ =	shalt  }
0x62: {  	_ =	shalt  }
0x63: {  	_ =	shalt  }
0x64: {  	_ =	shalt  }
0x65: {  	_ =	shalt  }
0x66: {  	_ =	shalt  }
0x67: {  	_ =	shalt  }
0x68: {  	_ =	shalt  }
0x69: {  	_ =	shalt  }
0x6a: {  	_ =	shalt  }
0x6b: {  	_ =	shalt  }
0x6c: {  	_ =	shalt  }
0x6d: {  	_ =	shalt  }
0x6e: {  	_ =	shalt  }
0x6f: {  	_ =	shalt  }
0x70: {  	_ =	shalt  }
0x71: {  	_ =	shalt  }
0x72: {  	_ =	shalt  }
0x73: {  	_ =	shalt  }
0x74: {  	_ =	shalt  }
0x75: {  	_ =	shalt  }
0x76: {  	_ =	shalt  }
0x77: {  	_ =	shalt  }
0x78: {  	_ =	shalt  }
0x79: {  	_ =	shalt  }
0x7a: {  	_ =	shalt  }
0x7b: {  	_ =	shalt  }
0x7c: {  	_ =	shalt  }
0x7d: {  	_ =	shalt  }
0x7e: {  	_ =	shalt  }
0x7f: {  	_ =	shalt  }
0x80: {  	_ =	shalt  }
0x81: {  	_ =	shalt  }
0x82: {  	_ =	shalt  }
0x83: {  	_ =	shalt  }
0x84: {  	_ =	shalt  }
0x85: {  	_ =	shalt  }
0x86: {  	_ =	shalt  }
0x87: {  	_ =	shalt  }
.Lfunc_end0:
.L_simem_size_0:
called_computation_lowered:
.L_overlay_start_0:
0x88: {  	s2 =	sld [smem:$0x3FD9]  }
0x89: {  	s3 =	sld [smem:$0x3FFE];
	_ =	sdelay $0x1  }
0x8a: {  	s1 =	srdreg.scid  }
0x8b: {  	s0 =	sand.u32 $0x1, s1  }
0x8c: {  	s16 =	sshll.u32 s0, $0xA;
	s2 =	sadd.s32 s3, s2  }
0x8d: {  	s2 =	sadd.s32 s2, s16  }
0x8e: {  	[smem:$0x3FC4] =	sst s2  }
0x8f: {  	_ = 	snop  }
0x90: {  	(tm) =	ssettm $0x1  }
0x91: {  	s17 =	sld [smem:$0x3FFB];
	_ =	sdelay $0x3  }
0x92: {  	_ =	strace s17  }
0x93: {  	s2 =	sld [smem:$0x3FFC];
	_ =	sdelay $0x3  }
0x94: {  	_ =	strace s2  }
0x95: {  	s2 =	sld [smem:$0x3FFD];
	_ =	sdelay $0x3  }
0x96: {  	_ =	strace s2  }
0x97: {  	_ =	strace $0x8FFFFFFF  }
0x98: {  	s18 =	sld [smem:$0x3FDB];
	_ =	sdelay $0x1  }
0x99: {  	s19 =	simm.s32 $_scs_section_size  }
0x9a: {  	s4 =	simm.s32 $_size__tile_overlayer_lowered;
	s5 =	simm.s32 $_tile_overlayer_lowered  }
0x9b: {  	s22 =	simm.s32 $0x1BFF;
	s21 =	sshll.u32 s5, $0x1;
	s2 =	sadd.s32 s19, s18  }
0x9c: {  	s6 =	simm.s32 $0x0;
	s20 =	sshll.u32 s4, $0x1;
	s4 =	sadd.s32 s21, s2  }
0x9d: {  	[timem:s6], [sflag:s22] =	dma.local [hbm:s4], s20  }
0x9e: {  	_ =	swait.ge [sflag:s22], s20  }
0x9f: {  	s3 =	ssub.s32 $0x0, s20;
	[sflag:s22] =	ssyncset.done $0x0  }
0xa0: {  	[sflag:s22] =	ssyncadd.s32 s3;
	_ =	sdelay $0x1  }
0xa1: {  	s23 =	simm.s32 $0x1B8B  }
0xa2: {  	_ =	swait.ge [sflag:s23], $0x1  }
0xa3: {  	[sflag:s23] =	ssyncset.done $0x0  }
0xa4: {  	s25 =	simm.s32 $0x1B8E;
	s24 =	sld [smem:$0x3FFE];
	[sflag:s23] =	ssyncadd.s32 $0xFFFFFFFF  }
0xa5: {  	s26 =	simm.s32 $execute0_lowered;
	[smem:$0x3FD2] =	sst s25  }
0xa6: {  	s4 =	sshll.u32 s26, $0x1;
	_ =	strace $0x80000046;
	[dreg:$0x1] =	wrdreg $0xFFFFFFFF  }
0xa7: {  	s28 =	simm.s32 $_size_execute0_lowered;
	s2 =	sadd.s32 s2, s4;
	[dreg:$0x0] =	wrdreg $0x0  }
0xa8: {  	s4 =	sshll.u32 s28, $0x1;
	[dreg:$0x2] =	wrdreg s2  }
0xa9: {  	[dreg:$0x3] =	wrdreg s4  }
0xaa: {  	[dreg:$0x4] =	wrdreg $0xC0  }
0xab: {  	_ =	task [dreg:s6], $0x5FFFF  }
0xac: {  	[dreg:$0x1] =	wrdreg $0xFFFFFFFF  }
0xad: {  	[dreg:$0x0] =	wrdreg $0x60  }
0xae: {  	[dreg:$0x2] =	wrdreg s24  }
0xaf: {  	[dreg:$0x3] =	wrdreg $0x50800  }
0xb0: {  	[dreg:$0x4] =	wrdreg $0x9  }
0xb1: {  	_ =	task.clear_ibuf [dreg:s6], $0x5FFFF;
	_ =	strace $0x90000046  }
0xb2: {  	s29 =	simm.s32 $0x9;
	_ =	strace $0x80000048  }
0xb3: {  	_ =	swait.ge [sflag:s29], $0x1  }
0xb4: {  	[sflag:s29] =	ssyncadd.s32 $0xFFFFFFFF  }
0xb5: {  	_ =	strace $0x90000048  }
0xb6: {  	_ =	sfence  }
0xb7: {  	s30 =	sld [smem:$0x0];
	_ =	sdelay $0x2  }
0xb8: {  	s31 =	sshll.u32 s1, $0xD;
	s1 =	sshrl.u32 s1, $0x2  }
0xb9: {  	s3 =	sand.u32 $0x4000, s31;
	s1 =	sadd.s32 s1, s30  }
0xba: {  	s0 =	sor.u32 s3, s0;
	s1 =	sshll.u32 s1, $0x11  }
0xbb: {  	s0 =	sor.u32 s1, s0  }
0xbc: {  	s0 =	sadd.s32 $0x8F2B, s0  }
0xbd: {  	[sflag:s0] =	ssyncadd.remote.s32 $0x1  }
0xbe: {  	_ =	sfence.sel $0xFFFF  }
0xbf: {  	[dreg:$0x0] =	wrdreg $0xFFFFFFFF;
	(pc) =	sbr.abs _section_cstart, $3  }
0xc0: {  	[dreg:$0x1] =	wrdreg $0xFFFFFFFF  }
0xc1: {  	_ =	task.clear_ibuf [dreg:s6], $0x2FFFF;
	_ =	strace $0x9FFFFFFF  }
0xc2: {  	(tm) =	ssettm $0x7FFFFFFF  }
0xc3: {  	_ =	shalt  }
tec
execute0_lowered:
.L_overlay_start_1:
0x0: {  	(tag) =	ssettag $0x1  }
0x1: {  	s5 =	rddreg [dreg:$0x0]  }
0x2: {  	s0 =	srdreg.scid;
	s2 =	rddreg [dreg:$0x1]  }
0x3: {  	s3 =	simm.s32 $0x0;
	s13 =	simm.s32 $0x40;
	s14 =	simm.s32 $0x20  }
0x4: {  	s15 =	simm.s32 $0x10;
	s4 =	sand.u32 $0x1, s0;
	s0 =	stileid.u32  }
0x5: {  	s16 =	simm.s32 $0x0;
	[smem:$0x7FF] =	sst s3;
	s7 =	smul.u32 $0x280, s0  }
0x6: {  	s1 =	sshll.u32 s4, $0x4;
	s8 =	smul.u32 $0x500, s0;
	s9 =	sshll.u32 s4, $0x7  }
0x7: {  	s30 =	ssub.s32 $0x2, s4;
	s4 =	sadd.s32 $0x15800, s5;
	s11 =	sshll.u32 s0, $0x6  }
0x8: {  	s1 =	sor.u32 s0, s1;
	s31 =	sshrl.u32 s30, $0x1;
	s11 =	sor.u32 $0x1C01, s11  }
0x9: {  	s6 =	smul.u32 $0xA00, s1;
	s1 =	rddreg [dreg:$0x2];
	_ =	strace $0x80000047  }
0xa: {  	s10 =	sshrl.u32 s7, $0x3;
	s8 =	sor.u32 s9, s8;
	s12 =	sadd.s32 s7, s2  }
0xb: {  	s9 =	simm.s32 $0x1;
	s29 =	sadd.s32 s10, s5;
	s8 =	sshrl.u32 s8, $0x3  }
0xc: {  	s10 =	ssub.s32 s30, s31;
	s12 =	sshrl.u32 s12, $0x3;
	s6 =	sadd.s32 s6, s5  }
0xd: {  	s8 =	sadd.s32 s8, s5;
	s5 =	sadd.s32 $0x1200, s6;
	s6 =	sadd.s32 $0x15200, s29  }
0xe: {  	s7 =	sadd.s32 $0x15A00, s8;
	s8 =	smax.u32 s10, $0x1;
	s10 =	simm.s32 $0x5000  }
.LBB2_1:
0xf: {  	[tilespmem:s3], [sflag:$0x1] =	stream.linear.gather [hbm4b:s5+s3], $0x5000, $0x38;
	[tilespmem:$0x5300] =	vst v63  }
0x10: {  	_ =	swait.ge [sflag:s9], $0x5000  }
0x11: {  	[sflag:s9] =	ssyncset.done $0x0  }
0x12: {  	[sflag:s9] =	ssyncadd.s32 $0xFFFFB000  }
0x13: {  	[tilespmem:s10], [sflag:$0x1] =	stream.linear.gather [hbm4b:s4+s3], $0x80, $0x38;
	[tilespmem:$0x5300] =	vst v63  }
0x14: {  	_ =	swait.ge [sflag:s9], $0x80  }
0x15: {  	[sflag:s9] =	ssyncset.done $0x0  }
0x16: {  	[sflag:s9] =	ssyncadd.s32 $0xFFFFFF80  }
0x17: {  	[spmem:s12], [sflag:s11] =	dma.local [hbm:s6], $0x50  }
0x18: {  	_ =	swait.ge [sflag:s9], $0x50  }
0x19: {  	[sflag:s9] =	ssyncset.done $0x0  }
0x1a: {  	[sflag:s9] =	ssyncadd.s32 $0xFFFFFFB0  }
0x1b: {  	s17 =	simm.s32 $0x0;
	[bflag:$0x0] =	sbarrier.arrive $0xFFFF  }
0x1c: {  	[spmem:s2] =	stream.indirect.scatter.add.f32 [tilespmem:s10], [sflag:$0x1], $0x1, s17, s13, $0xb8;
	[tilespmem:$0x5300] =	vst v63  }
0x1d: {  	_ =	swait.ge [sflag:s9], $0x40  }
0x1e: {  	s17 =	simm.s32 $0x200;
	[sflag:s9] =	ssyncset.done $0x0  }
.LBB2_2:
0x1f: {  	s18 =	sshra.s32 s17, $0x2;
	[sflag:s9] =	ssyncadd.s32 $0xFFFFFFC0;
	p0 =	sne.s32 s17, $0x13E00  }
0x20: {  	[spmem:s2] =	stream.indirect.scatter.add.f32 [tilespmem:s10], [sflag:$0x1], $0x1, s18, s13, $0xb8;
	[tilespmem:$0x5300] =	vst v63  }
.Ltmp0:
0x21: {  	_ = 	snop;
	(pc) =	sbr.rel @p0 .LBB2_2-.Ltmp0, $4  }
0x22: {  	_ = 	snop  }
0x23: {  	s17 =	sadd.s32 $0x200, s17  }
0x24: {  	_ =	swait.ge [sflag:s9], $0x40  }
0x25: {  	[sflag:s9] =	ssyncset.done $0x0  }
0x26: {  	s16 =	sadd.s32 $0x1, s16  }
0x27: {  	[sflag:s9] =	ssyncadd.s32 $0xFFFFFFC0;
	p0 =	sne.s32 s16, s8  }
.Ltmp1:
0x28: {  	[bflag:$0x0] =	sbarrier.arrive $0xFFFF;
	(pc) =	sbr.rel @p0 .LBB2_1-.Ltmp1, $4  }
0x29: {  	[hbm:s7@s14], [sflag:s11] =	dma.strided [spmem:s12@s15], $0x50, s9, $0x10   }
0x2a: {  	_ =	swait.ge [sflag:s9], $0x50  }
0x2b: {  	[sflag:s9] =	ssyncset.done $0x0  }
0x2c: {  	[sflag:s9] =	ssyncadd.s32 $0xFFFFFFB0  }
0x2d: {  	_ =	sfence.sel $0x180000  }
0x2e: {  	[bflag:$0x0] =	sbarrier.arrive $0xFFFF  }
0x2f: {  	p0 =	sne.s32 s0, $0x0;
	_ =	strace $0x90000047  }
0x30: {  	s0 =	sadd.s32 @!p0 $0x100000, s1;
	[bflag:$0x2] =	sbarrier.arrive $0xFFFF  }
0x31: {  	[sflag:s0] =	ssyncadd.tile.s32 @!p0 $0x1;
	_ =	shalt  }
.Lfunc_end2:
_tile_overlayer_lowered:
.L_overlay_start_2:
0x32: {  	(tag) =	ssettag $0x2  }
0x33: {  	s0 =	rddreg [dreg:$0x0];
	s2 =	stileid.u32  }
0x34: {  	s1 =	rddreg [dreg:$0x1];
	p0 =	sne.s32 s2, $0x0  }
0x35: {  	s3 =	rddreg [dreg:$0x2];
	[bflag:$0x3] =	sbarrier.arrive $0xFFFF;
	s2 =	simm.s32 @!p0 $0x1C01  }
0x36: {  	[timem:s3], [sflag:s2] =	dma.local @!p0 [hbm:s0], s1  }
0x37: {  	s0 =	simm.s32 @!p0 $0x1  }
0x38: {  	_ =	swait.ge @!p0 [sflag:s0], s1  }
0x39: {  	s1 =	ssub.s32 @!p0 $0x0, s1;
	[sflag:s0] =	ssyncset.done @!p0 $0x0  }
0x3a: {  	[sflag:s0] =	ssyncadd.s32 @!p0 s1  }
0x3b: {  	[bflag:$0x3] =	sbarrier.arrive $0xFFFF  }
0x3c: {  	_ =	shalt  }

// kernel: kernel.9.cloned.1.call-start
scs
__scs_entry_jumppad:
0x0: {  	(pc) =	sbr.rel $0x88, $3  }
0x1: {  	(tag) =	ssettag $0x0;
	lr =	simm.s32 $0x1  }
0x2: {  	[smem:$0x3F9D] =	sst lr;
	_ =	strace $0xD0000000  }
0x3: {  	_ = 	snop  }
0x4: {  	_ = 	snop  }
0x5: {  	_ = 	snop  }
0x6: {  	_ = 	snop  }
0x7: {  	_ = 	snop  }
__scs_overlays_trampoline_lowered:
0x8: {  	[smem:$0x3FAC] =	sst s0  }
0x9: {  	[smem:$0x3FAD] =	sst s1  }
0xa: {  	[smem:$0x3FAE] =	sst s2  }
0xb: {  	[smem:$0x3FAF] =	sst s3  }
0xc: {  	[smem:$0x3FB0] =	sst s4  }
0xd: {  	[smem:$0x3FB1] =	sst s5  }
0xe: {  	[smem:$0x3FB2] =	sst s6  }
0xf: {  	[smem:$0x3FB3] =	sst s7  }
0x10: {  	[smem:$0x3FB4] =	sst s8  }
0x11: {  	[smem:$0x3FB5] =	sst s9;
	s0 =	simm.s32 @!p0 $0x0  }
0x12: {  	s1 =	sld [smem:$0x3F9B];
	s0 =	simm.s32 @p0 $0x1  }
0x13: {  	[smem:$0x3FB6] =	sst s0;
	s0 =	simm.s32 @!p1 $0x0  }
0x14: {  	s2 =	sld [smem:$0x3F9A];
	s0 =	simm.s32 @p1 $0x1  }
0x15: {  	[smem:$0x3FB7] =	sst s0;
	s0 =	simm.s32 @!p2 $0x0  }
0x16: {  	s3 =	sld [smem:$0x3FDB];
	s0 =	simm.s32 @p2 $0x1  }
0x17: {  	s4 =	simm.s32 $0x1BF5;
	[smem:$0x3FB9] =	sst s0  }
0x18: {  	s0 =	sld [smem:$0x3F9C];
	_ =	swait.ge [sflag:s4], $0x0  }
0x19: {  	s7 =	sld [smem:$0x3F9D]  }
0x1a: {  	s8 =	sadd.s32 $0xFFFFE003, lr  }
0x1b: {  	s9 =	sadd.s32 $0xFFFFFEF7, lr;
	s5 =	simm.s32 $0xFFFFFFFF;
	p2 =	slt.u32 s8, $0xFFFFF086  }
0x1c: {  	p1 =	slt.u32 s9, $0xF7A;
	s5 =	simm.s32 @!p2 $0x0  }
0x1d: {  	s5 =	simm.s32 @p1 $0x1;
	p0 =	seq.s32 s7, s2  }
0x1e: {  	s7 =	smul.u32 @!p0 $0xF7A, s2;
	p2 =	seq.s32 @!p0 s5, $0x0  }
0x1f: {  	s9 =	smul.u32 $0xF7A, s1;
	s8 =	simm.s32 @!p0 $0x1BF5;
	p2 =	por !p2, p0  }
0x20: {  	[sflag:s8] =	ssyncset.s32 @!p0 $0xFFFFF086;
	s6 =	sadd.s32 @!p0 s3, s7;
	s7 =	simm.s32 @!p0 $0x108  }
0x21: {  	s3 =	sadd.s32 s3, s9;
	s6 =	sadd.s32 @!p0 $0x88, s6;
	s7 =	simm.s32 @p2 $0x1082  }
0x22: {  	[simem:s7], [sflag:s8] =	dma.local @!p0 [hbm:s6], $0xF7A  }
0x23: {  	s9 =	sor.u32 $0xD0000000, s2;
	s6 =	simm.s32 $0x108;
	_ =	swait.ge @!p0 [sflag:s8], $0x0  }
0x24: {  	s3 =	sadd.s32 $0x88, s3;
	s6 =	simm.s32 @!p1 $0x1082;
	[sflag:s4] =	ssyncset.s32 $0xFFFFF086  }
0x25: {  	[simem:s6], [sflag:s4] =	dma.local [hbm:s3], $0xF7A  }
0x26: {  	[smem:$0x3F9D] =	sst s1;
	(tag) =	ssettag s2;
	_ =	strace s9  }
0x27: {  	s1 =	sld [smem:$0x3FAD]  }
0x28: {  	s2 =	sld [smem:$0x3FAE]  }
0x29: {  	s4 =	sld [smem:$0x3FB0]  }
0x2a: {  	p0 =	seq.s32 s5, $0x0;
	s5 =	sld [smem:$0x3FB1]  }
0x2b: {  	s6 =	sld [smem:$0x3FB2]  }
0x2c: {  	s7 =	sld [smem:$0x3FB3]  }
0x2d: {  	s3 =	simm.s32 $0x108;
	s8 =	sld [smem:$0x3FB4]  }
0x2e: {  	s3 =	simm.s32 @!p0 $0x1082;
	s9 =	sld [smem:$0x3FB5]  }
0x2f: {  	lr =	sadd.s32 s0, s3;
	s0 =	sld [smem:$0x3FAC]  }
0x30: {  	s3 =	sld [smem:$0x3FAF]  }
0x31: {  	[smem:$0x3FB8] =	sst s10  }
0x32: {  	s10 =	sld [smem:$0x3FB6];
	_ =	sdelay $0x3  }
0x33: {  	p0 =	seq.s32 s10, $0x1;
	s10 =	sld [smem:$0x3FB8];
	_ =	sdelay $0x3  }
0x34: {  	[smem:$0x3FB8] =	sst s10  }
0x35: {  	s10 =	sld [smem:$0x3FB7];
	_ =	sdelay $0x3  }
0x36: {  	p1 =	seq.s32 s10, $0x1;
	s10 =	sld [smem:$0x3FB8];
	_ =	sdelay $0x3  }
0x37: {  	[smem:$0x3FB8] =	sst s10  }
0x38: {  	s10 =	sld [smem:$0x3FB9]  }
0x39: {  	_ = 	snop;
	(pc) =	sbr.ind lr, $3  }
0x3a: {  	_ = 	snop  }
0x3b: {  	_ = 	snop  }
0x3c: {  	p2 =	seq.s32 s10, $0x1;
	s10 =	sld [smem:$0x3FB8]  }
0x3d: {  	_ =	shalt  }
0x3e: {  	_ =	shalt  }
0x3f: {  	_ =	shalt  }
0x40: {  	_ =	shalt  }
0x41: {  	_ =	shalt  }
0x42: {  	_ =	shalt  }
0x43: {  	_ =	shalt  }
0x44: {  	_ =	shalt  }
0x45: {  	_ =	shalt  }
0x46: {  	_ =	shalt  }
0x47: {  	_ =	shalt  }
0x48: {  	_ =	shalt  }
0x49: {  	_ =	shalt  }
0x4a: {  	_ =	shalt  }
0x4b: {  	_ =	shalt  }
0x4c: {  	_ =	shalt  }
0x4d: {  	_ =	shalt  }
0x4e: {  	_ =	shalt  }
0x4f: {  	_ =	shalt  }
0x50: {  	_ =	shalt  }
0x51: {  	_ =	shalt  }
0x52: {  	_ =	shalt  }
0x53: {  	_ =	shalt  }
0x54: {  	_ =	shalt  }
0x55: {  	_ =	shalt  }
0x56: {  	_ =	shalt  }
0x57: {  	_ =	shalt  }
0x58: {  	_ =	shalt  }
0x59: {  	_ =	shalt  }
0x5a: {  	_ =	shalt  }
0x5b: {  	_ =	shalt  }
0x5c: {  	_ =	shalt  }
0x5d: {  	_ =	shalt  }
0x5e: {  	_ =	shalt  }
0x5f: {  	_ =	shalt  }
0x60: {  	_ =	shalt  }
0x61: {  	_ =	shalt  }
0x62: {  	_ =	shalt  }
0x63: {  	_ =	shalt  }
0x64: {  	_ =	shalt  }
0x65: {  	_ =	shalt  }
0x66: {  	_ =	shalt  }
0x67: {  	_ =	shalt  }
0x68: {  	_ =	shalt  }
0x69: {  	_ =	shalt  }
0x6a: {  	_ =	shalt  }
0x6b: {  	_ =	shalt  }
0x6c: {  	_ =	shalt  }
0x6d: {  	_ =	shalt  }
0x6e: {  	_ =	shalt  }
0x6f: {  	_ =	shalt  }
0x70: {  	_ =	shalt  }
0x71: {  	_ =	shalt  }
0x72: {  	_ =	shalt  }
0x73: {  	_ =	shalt  }
0x74: {  	_ =	shalt  }
0x75: {  	_ =	shalt  }
0x76: {  	_ =	shalt  }
0x77: {  	_ =	shalt  }
0x78: {  	_ =	shalt  }
0x79: {  	_ =	shalt  }
0x7a: {  	_ =	shalt  }
0x7b: {  	_ =	shalt  }
0x7c: {  	_ =	shalt  }
0x7d: {  	_ =	shalt  }
0x7e: {  	_ =	shalt  }
0x7f: {  	_ =	shalt  }
0x80: {  	_ =	shalt  }
0x81: {  	_ =	shalt  }
0x82: {  	_ =	shalt  }
0x83: {  	_ =	shalt  }
0x84: {  	_ =	shalt  }
0x85: {  	_ =	shalt  }
0x86: {  	_ =	shalt  }
0x87: {  	_ =	shalt  }
.Lfunc_end0:
.L_simem_size_0:
called_computation.1_lowered:
.L_overlay_start_0:
0x88: {  	s2 =	sld [smem:$0x3FD9]  }
0x89: {  	s3 =	sld [smem:$0x3FFE];
	_ =	sdelay $0x1  }
0x8a: {  	s1 =	srdreg.scid  }
0x8b: {  	s0 =	sand.u32 $0x1, s1  }
0x8c: {  	s17 =	sshll.u32 s0, $0xA;
	s2 =	sadd.s32 s3, s2  }
0x8d: {  	s2 =	sadd.s32 s2, s17  }
0x8e: {  	[smem:$0x3FC4] =	sst s2  }
0x8f: {  	_ = 	snop  }
0x90: {  	s2 =	sld [smem:$0x3FD0];
	(tm) =	ssettm $0x1  }
0x91: {  	s18 =	sld [smem:$0x3FFB];
	_ =	sdelay $0x3  }
0x92: {  	_ =	strace s18  }
0x93: {  	s3 =	sld [smem:$0x3FFC];
	_ =	sdelay $0x3  }
0x94: {  	_ =	strace s3  }
0x95: {  	s3 =	sld [smem:$0x3FFD];
	_ =	sdelay $0x3  }
0x96: {  	_ =	strace s3  }
0x97: {  	_ =	strace $0x8FFFFFFF  }
0x98: {  	s19 =	sld [smem:$0x3FDB];
	_ =	sdelay $0x1  }
0x99: {  	s4 =	simm.s32 $_scs_section_size  }
0x9a: {  	s5 =	simm.s32 $_size__tile_overlayer_lowered;
	s6 =	simm.s32 $_tile_overlayer_lowered  }
0x9b: {  	s22 =	simm.s32 $0x1BFF;
	s21 =	sshll.u32 s6, $0x1;
	s3 =	sadd.s32 s4, s19  }
0x9c: {  	s7 =	simm.s32 $0x0;
	s20 =	sshll.u32 s5, $0x1;
	s5 =	sadd.s32 s21, s3  }
0x9d: {  	[timem:s7], [sflag:s22] =	dma.local [hbm:s5], s20  }
0x9e: {  	_ =	swait.ge [sflag:s22], s20  }
0x9f: {  	s4 =	ssub.s32 $0x0, s20;
	[sflag:s22] =	ssyncset.done $0x0  }
0xa0: {  	[sflag:s22] =	ssyncadd.s32 s4;
	_ =	sdelay $0x1  }
0xa1: {  	s23 =	simm.s32 $0x1B8B  }
0xa2: {  	_ =	swait.ge [sflag:s23], $0x1  }
0xa3: {  	[sflag:s23] =	ssyncset.done $0x0  }
0xa4: {  	s25 =	simm.s32 $0x1B8E;
	s24 =	sld [smem:$0x3FFE];
	[sflag:s23] =	ssyncadd.s32 $0xFFFFFFFF  }
0xa5: {  	s26 =	simm.s32 $execute0_lowered;
	[smem:$0x3FD2] =	sst s25  }
0xa6: {  	s5 =	sshll.u32 s26, $0x1;
	_ =	strace $0x80000049;
	[dreg:$0x1] =	wrdreg $0xFFFFFFFF  }
0xa7: {  	s28 =	simm.s32 $_size_execute0_lowered;
	s3 =	sadd.s32 s3, s5;
	[dreg:$0x0] =	wrdreg $0x0  }
0xa8: {  	s5 =	sshll.u32 s28, $0x1;
	[dreg:$0x2] =	wrdreg s3  }
0xa9: {  	[dreg:$0x3] =	wrdreg s5  }
0xaa: {  	[dreg:$0x4] =	wrdreg $0xC0  }
0xab: {  	_ =	task [dreg:s7], $0x5FFFF  }
0xac: {  	[dreg:$0x1] =	wrdreg $0xFFFFFFFF  }
0xad: {  	[dreg:$0x0] =	wrdreg $0x60  }
0xae: {  	[dreg:$0x2] =	wrdreg s24  }
0xaf: {  	[dreg:$0x3] =	wrdreg s2  }
0xb0: {  	[dreg:$0x4] =	wrdreg $0xC2000  }
0xb1: {  	[dreg:$0x5] =	wrdreg $0x9  }
0xb2: {  	_ =	task.clear_ibuf [dreg:s7], $0x6FFFF;
	_ =	strace $0x90000049  }
0xb3: {  	s29 =	simm.s32 $0x9;
	_ =	strace $0x8000004B  }
0xb4: {  	_ =	swait.ge [sflag:s29], $0x1  }
0xb5: {  	[sflag:s29] =	ssyncadd.s32 $0xFFFFFFFF  }
0xb6: {  	_ =	strace $0x9000004B  }
0xb7: {  	_ =	sfence  }
0xb8: {  	s30 =	sld [smem:$0x0];
	_ =	sdelay $0x2  }
0xb9: {  	s31 =	sshll.u32 s1, $0xD;
	s1 =	sshrl.u32 s1, $0x2  }
0xba: {  	s3 =	sand.u32 $0x4000, s31;
	s1 =	sadd.s32 s1, s30  }
0xbb: {  	s0 =	sor.u32 s3, s0;
	s1 =	sshll.u32 s1, $0x11  }
0xbc: {  	s0 =	sor.u32 s1, s0  }
0xbd: {  	s0 =	sadd.s32 $0x8F2B, s0  }
0xbe: {  	[sflag:s0] =	ssyncadd.remote.s32 $0x1  }
0xbf: {  	_ =	sfence.sel $0xFFFF  }
0xc0: {  	[dreg:$0x0] =	wrdreg $0xFFFFFFFF;
	(pc) =	sbr.abs _section_cstart, $3  }
0xc1: {  	[dreg:$0x1] =	wrdreg $0xFFFFFFFF  }
0xc2: {  	_ =	task.clear_ibuf [dreg:s7], $0x2FFFF;
	_ =	strace $0x9FFFFFFF  }
0xc3: {  	(tm) =	ssettm $0x7FFFFFFF  }
tec
execute0_lowered:
.L_overlay_start_1:
0x0: {  	(tag) =	ssettag $0x1  }
0x1: {  	s5 =	rddreg [dreg:$0x0]  }
0x2: {  	s8 =	rddreg [dreg:$0x1]  }
0x3: {  	s1 =	rddreg [dreg:$0x2];
	s3 =	simm.s32 $0x0  }
0x4: {  	s4 =	srdreg.scid;
	s2 =	stileid.u32;
	s17 =	simm.s32 $0x80  }
0x5: {  	s18 =	simm.s32 $0x2;
	s19 =	simm.s32 $0x40;
	s20 =	simm.s32 $0x8200  }
0x6: {  	s21 =	simm.s32 $0x1;
	s22 =	simm.s32 $0x0;
	[smem:$0x7FF] =	sst s3  }
0x7: {  	s6 =	sand.u32 $0x1, s4;
	s15 =	sshll.u32 s2, $0x6;
	s7 =	smul.u32 $0x13C00, s2  }
0x8: {  	s4 =	sshll.u32 s2, $0x8;
	s31 =	smul.u32 $0x4F000, s2;
	p0 =	seq.s32 s6, $0x0  }
0x9: {  	s9 =	sor.u32 $0x1000, s15;
	s10 =	smul.u32 $0x140000, s6;
	_ =	strace $0x8000004A  }
0xa: {  	s6 =	ssub.s32 $0x2, s6;
	s15 =	sor.u32 $0x1C03, s15;
	s9 =	smov.u32 @p0 s4  }
0xb: {  	s4 =	sadd.s32 $0x2A800, s5;
	s30 =	sshrl.u32 s6, $0x1;
	s9 =	sshll.u32 s9, $0x4  }
0xc: {  	s10 =	sadd.s32 s7, s10;
	s7 =	sshrl.u32 s7, $0x3;
	s14 =	ssub.s32 s6, s30  }
0xd: {  	s6 =	simm.s32 $0x100;
	s11 =	sadd.s32 s9, s5;
	s10 =	sshrl.u32 s10, $0x3  }
0xe: {  	s12 =	sadd.s32 s7, s5;
	s8 =	sadd.s32 s8, s9;
	s13 =	sadd.s32 s10, s5  }
0xf: {  	s5 =	simm.s32 $0x100;
	s7 =	sadd.s32 $0x16400, s11;
	s10 =	sshrl.u32 s31, $0x2  }
0x10: {  	s9 =	sadd.s32 $0x52800, s12;
	s12 =	smax.u32 s14, $0x1;
	s14 =	simm.s32 $0x3  }
0x11: {  	s5 =	simm.s32 @!p0 $0x40;
	s16 =	sadd.s32 s10, s1;
	s10 =	sadd.s32 $0x10, s8  }
0x12: {  	s11 =	sadd.s32 $0x7A800, s13;
	s13 =	sadd.s32 $0x20, s8;
	s16 =	sshrl.u32 s16, $0x3  }
.LBB2_1:
0x13: {  	s23 =	simm.s32 $0x200  }
0x14: {  	[tilespmem:s23], [sflag:$0x3] =	stream.linear.gather [hbm4b:s7+s3], $0x8000, $0x38;
	[tilespmem:$0x1FE00] =	vst v63  }
0x15: {  	_ =	swait.ge [sflag:s14], $0x8000  }
0x16: {  	[sflag:s14] =	ssyncset.done $0x0  }
0x17: {  	[sflag:s14] =	ssyncadd.s32 $0xFFFF8000  }
0x18: {  	[spmem:s16], [sflag:s15] =	dma.local [hbm:s9], $0x2780  }
0x19: {  	_ =	swait.ge [sflag:s14], $0x2780  }
0x1a: {  	[sflag:s14] =	ssyncset.done $0x0  }
0x1b: {  	[sflag:s14] =	ssyncadd.s32 $0xFFFFD880  }
0x1c: {  	[bflag:$0x0] =	sbarrier.arrive $0xFFFF  }
0x1d: {  	[tilespmem:s3], [sflag:$0x2] =	stream.linear.gather [hbm4b:s8+s3], $0x80, $0x38;
	[tilespmem:$0x1FE00] =	vst v63  }
0x1e: {  	_ = 	snop  }
0x1f: {  	[tilespmem:s17], [sflag:$0x2] =	stream.linear.gather [hbm4b:s10+s3], $0x80, $0x38;
	[tilespmem:$0x1FE00] =	vst v63  }
0x20: {  	_ =	swait.ge [sflag:s18], $0x80  }
0x21: {  	p0 =	sle.u32 s5, $0x1;
	[sflag:s18] =	ssyncset.done $0x0  }
0x22: {  	s24 =	simm.s32 @!p0 $0x2;
	[sflag:s18] =	ssyncadd.s32 $0xFFFFFF80  }
0x23: {  	[tilespmem:s20], [sflag:$0x1] =	stream.indirect.gather [hbm4b:s4+s19], $0x80, s3, s19, $0xb8;
	[tilespmem:$0x1FE00] =	vst v63  }
0x24: {  	s25 =	sxor.u32 @!p0 $0xFFFFFFFF, s3;
	s26 =	simm.s32 @!p0 $0x80;
	_ =	swait.ge @!p0 [sflag:s24], $0x80  }
0x25: {  	s25 =	sand.u32 @!p0 $0x2000, s25;
	s26 =	sand.u32 @!p0 $0x180, s26;
	[sflag:s24] =	ssyncset.done @!p0 $0x0  }
0x26: {  	s25 =	sor.u32 @!p0 $0x8200, s25;
	[sflag:s24] =	ssyncadd.s32 @!p0 $0xFFFFFF80;
	s24 =	simm.s32 @!p0 $0x40  }
0x27: {  	[tilespmem:s25], [sflag:$0x1] =	stream.indirect.gather @!p0 [hbm4b:s4+s24], $0x80, s26, s24, $0xb8;
	[tilespmem:$0x1FE00] =	vst v63  }
0x28: {  	p0 =	sle.u32 s5, $0x2  }
0x29: {  	s24 =	sand.u32 @!p0 $0x180, s6;
	s25 =	simm.s32 @!p0 $0x0  }
0x2a: {  	[tilespmem:s24], [sflag:$0x2] =	stream.linear.gather @!p0 [hbm4b:s13+s25], $0x80, $0x38;
	[tilespmem:$0x1FE00] =	vst v63  }
0x2b: {  	p0 =	sne.s32 s5, $0x1  }
.Ltmp0:
0x2c: {  	_ =	swait.ge [sflag:s21], $0x2000;
	(pc) =	sbr.rel @!p0 .LBB2_3-.Ltmp0, $4  }
0x2d: {  	s31 =	sand.u32 $0x2000, s3;
	[sflag:s21] =	ssyncset.done $0x0  }
0x2e: {  	s28 =	smov.u32 s13;
	s24 =	sor.u32 $0x8200, s31;
	[sflag:s21] =	ssyncadd.s32 $0xFFFFE000  }
0x2f: {  	[spmem:s1] =	stream.indirect.scatter.add.f32 [tilespmem:s24], [sflag:$0x3], $0x80, s23, s19, $0xb8;
	[tilespmem:$0x1FE00] =	vst v63  }
0x30: {  	s26 =	simm.s32 $0x0;
	s25 =	simm.s32 $0x100;
	s24 =	simm.s32 $0x1  }
.LBB2_2:
0x31: {  	_ =	swait.ge [sflag:s14], $0x2000  }
0x32: {  	s25 =	sadd.s32 $0x80, s25;
	s29 =	smov.u32 s24;
	s24 =	sadd.s32 $0x1, s24  }
0x33: {  	s26 =	sadd.s32 $0x2000, s26;
	p0 =	sge.u32 s24, s5;
	[sflag:s14] =	ssyncset.done $0x0  }
0x34: {  	s30 =	simm.s32 @!p0 $0x2;
	s31 =	sxor.u32 @!p0 $0xFFFFFFFF, s26;
	[sflag:s14] =	ssyncadd.s32 $0xFFFFE000  }
0x35: {  	s0 =	sadd.s32 @!p0 $0xFFFFFF80, s25;
	_ =	swait.ge @!p0 [sflag:s30], $0x80;
	s31 =	sand.u32 @!p0 $0x2000, s31  }
0x36: {  	s0 =	sand.u32 @!p0 $0x180, s0;
	[sflag:s30] =	ssyncset.done @!p0 $0x0;
	s31 =	sor.u32 @!p0 $0x8200, s31  }
0x37: {  	s29 =	sadd.s32 $0x2, s29;
	[sflag:s30] =	ssyncadd.s32 @!p0 $0xFFFFFF80;
	s30 =	simm.s32 @!p0 $0x40  }
0x38: {  	[tilespmem:s31], [sflag:$0x1] =	stream.indirect.gather @!p0 [hbm4b:s4+s30], $0x80, s0, s30, $0xb8;
	[tilespmem:$0x1FE00] =	vst v63  }
0x39: {  	s28 =	sadd.s32 $0x10, s28;
	p1 =	sge.u32 s29, s5;
	p0 =	sne.s32 s5, s24  }
0x3a: {  	s29 =	simm.s32 @!p1 $0x0;
	s0 =	sand.u32 @!p1 $0x180, s25  }
0x3b: {  	[tilespmem:s0], [sflag:$0x2] =	stream.linear.gather @!p1 [hbm4b:s28+s29], $0x80, $0x38;
	[tilespmem:$0x1FE00] =	vst v63  }
.Ltmp1:
0x3c: {  	_ = 	snop;
	(pc) =	sbr.rel @p0 .LBB2_2-.Ltmp1, $4  }
0x3d: {  	_ =	swait.ge [sflag:s21], $0x2000  }
0x3e: {  	s23 =	sadd.s32 $0x80, s23;
	s0 =	sand.u32 $0x2000, s26;
	[sflag:s21] =	ssyncset.done $0x0  }
0x3f: {  	s0 =	sor.u32 $0x8200, s0;
	[sflag:s21] =	ssyncadd.s32 $0xFFFFE000  }
0x40: {  	[spmem:s1] =	stream.indirect.scatter.add.f32 [tilespmem:s0], [sflag:$0x3], $0x80, s23, s19, $0xb8;
	[tilespmem:$0x1FE00] =	vst v63  }
.LBB2_3:
0x41: {  	_ =	swait.ge [sflag:s14], $0x2000  }
0x42: {  	s22 =	sadd.s32 $0x1, s22;
	[sflag:s14] =	ssyncset.done $0x0  }
0x43: {  	p0 =	sne.s32 s22, s12;
	[sflag:s14] =	ssyncadd.s32 $0xFFFFE000  }
.Ltmp2:
0x44: {  	[bflag:$0x0] =	sbarrier.arrive $0xFFFF;
	(pc) =	sbr.rel @p0 .LBB2_1-.Ltmp2, $4  }
0x45: {  	[hbm:s11], [sflag:s15] =	dma.local [spmem:s16], $0x2780  }
0x46: {  	_ =	swait.ge [sflag:s14], $0x2780  }
0x47: {  	[sflag:s14] =	ssyncset.done $0x0  }
0x48: {  	[sflag:s14] =	ssyncadd.s32 $0xFFFFD880  }
0x49: {  	_ =	sfence.sel $0x180000  }
0x4a: {  	[bflag:$0x0] =	sbarrier.arrive $0xFFFF  }
0x4b: {  	_ =	strace $0x9000004A  }
0x4c: {  	[bflag:$0x2] =	sbarrier.arrive $0xFFFF  }
0x4d: {  	p0 =	sne.s32 s2, $0x0;
	s0 =	rddreg [dreg:$0x3]  }
0x4e: {  	s0 =	sadd.s32 @!p0 $0x100000, s0  }
0x4f: {  	[sflag:s0] =	ssyncadd.tile.s32 @!p0 $0x1;
	_ =	shalt  }
.Lfunc_end2:
_tile_overlayer_lowered:
.L_overlay_start_2:
0x50: {  	(tag) =	ssettag $0x2  }
0x51: {  	s0 =	rddreg [dreg:$0x0];
	s2 =	stileid.u32  }
0x52: {  	s1 =	rddreg [dreg:$0x1];
	p0 =	sne.s32 s2, $0x0  }
0x53: {  	s3 =	rddreg [dreg:$0x2];
	[bflag:$0x3] =	sbarrier.arrive $0xFFFF;
	s2 =	simm.s32 @!p0 $0x1C03  }
0x54: {  	[timem:s3], [sflag:s2] =	dma.local @!p0 [hbm:s0], s1  }
0x55: {  	s0 =	simm.s32 @!p0 $0x3  }
0x56: {  	_ =	swait.ge @!p0 [sflag:s0], s1  }
0x57: {  	s1 =	ssub.s32 @!p0 $0x0, s1;
	[sflag:s0] =	ssyncset.done @!p0 $0x0  }
0x58: {  	[sflag:s0] =	ssyncadd.s32 @!p0 s1  }
0x59: {  	[bflag:$0x3] =	sbarrier.arrive $0xFFFF  }
0x5a: {  	_ =	shalt  }

</sc_bundles>
